<compile_context>
chip_gen: v7x
topology: tpu7x:2x2x1
jax: 0.10.2.dev20260603
libtpu: 0.0.44.dev20260713+nightly
codegen_flags: <defaults>
</compile_context>

<pallas_src>
import jax
import jax.numpy as jnp
from jax import lax
from jax.experimental import pallas as pl
from jax.experimental.pallas import tpu as pltpu
from jax.experimental.pallas import tpu_sc as plsc

B = 16384
VOCAB = 1000
DIM = 64

NUM_CORES = 2
NUM_SUBCORES = 16
NW = NUM_CORES * NUM_SUBCORES
BPW = B // NW
CHUNK = 128
NCHUNK = BPW // CHUNK
LANES = 16
GPC = CHUNK // LANES
DSTEP = 8


def _body(user_hbm, item_hbm, uf_hbm, itf_hbm, umap_hbm, imap_hbm,
          out_hbm, uidx_v, iidx_v, umap_v, imap_v, urows_v, irows_v,
          out_v, uf_s, itf_s, sems):
    sid = lax.axis_index("s")
    wid = sid * NUM_CORES + lax.axis_index("c")
    base = pl.multiple_of(wid * BPW, BPW)

    half = NUM_SUBCORES // 2
    trows = VOCAB // half
    toff = pl.multiple_of((sid % half) * trows, trows)
    tsl = pl.ds(toff, trows)

    stage = [
        pltpu.async_copy(user_hbm.at[pl.ds(base, BPW)], uidx_v, sems[0]),
        pltpu.async_copy(item_hbm.at[pl.ds(base, BPW)], iidx_v, sems[1]),
        pltpu.async_copy(umap_hbm, umap_v, sems[2]),
        pltpu.async_copy(imap_hbm, imap_v, sems[3]),
    ]

    @pl.when(sid < half)
    def _():
        pltpu.async_copy(uf_hbm.at[tsl], uf_s.at[tsl],
                         sems[4 + 2 * NCHUNK]).wait()

    @pl.when(sid >= half)
    def _():
        pltpu.async_copy(itf_hbm.at[tsl], itf_s.at[tsl],
                         sems[4 + 2 * NCHUNK]).wait()

    for c in stage:
        c.wait()

    copies = []
    for j in range(NCHUNK):
        def map_body(i, carry):
            off = pl.multiple_of((j * GPC + i) * LANES, LANES)
            raw_u = uidx_v[pl.ds(off, LANES)]
            raw_i = iidx_v[pl.ds(off, LANES)]
            uidx_v[pl.ds(off, LANES)] = plsc.load_gather(umap_v, [raw_u])
            iidx_v[pl.ds(off, LANES)] = plsc.load_gather(imap_v, [raw_i])
            return carry
        lax.fori_loop(0, GPC, map_body, 0)
        if j == 0:
            plsc.subcore_barrier()
        sl = pl.ds(j * CHUNK, CHUNK)
        copies.append(pltpu.async_copy(
            uf_s.at[uidx_v.at[sl]], urows_v.at[sl], sems[4 + 2 * j]))
        copies.append(pltpu.async_copy(
            itf_s.at[iidx_v.at[sl]], irows_v.at[sl], sems[5 + 2 * j]))

    lane = lax.iota(jnp.int32, LANES)
    outs = []
    for j in range(NCHUNK):
        copies[2 * j].wait()
        copies[2 * j + 1].wait()

        def group(g, carry):
            row = (j * GPC + g) * LANES + lane

            def dblock(db, st):
                acc, col = st
                for _ in range(DSTEP):
                    u = plsc.load_gather(urows_v, [row, col])
                    t = plsc.load_gather(irows_v, [row, col])
                    acc = acc + u * t
                    col = (col + 1) & (DIM - 1)
                return acc, col

            acc, _ = lax.fori_loop(
                0, DIM // DSTEP, dblock,
                (jnp.zeros((LANES,), jnp.float32), lane))
            off = pl.multiple_of((j * GPC + g) * LANES, LANES)
            out_v[pl.ds(off, LANES)] = acc
            return carry
        lax.fori_loop(0, GPC, group, 0)
        osl = pl.ds(j * CHUNK, CHUNK)
        outs.append(pltpu.async_copy(
            out_v.at[osl], out_hbm.at[pl.ds(base + j * CHUNK, CHUNK)],
            sems[5 + 2 * NCHUNK + j]))

    for o in outs:
        o.wait()


@jax.jit
def _svd_dot(user, item, user_factors, item_factors, user_map, item_map):
    mesh = plsc.VectorSubcoreMesh(
        core_axis_name="c", subcore_axis_name="s",
        num_cores=NUM_CORES, num_subcores=NUM_SUBCORES)
    return pl.kernel(
        _body,
        out_type=jax.ShapeDtypeStruct((B,), jnp.float32),
        mesh=mesh,
        scratch_types=[
            pltpu.VMEM((BPW,), jnp.int32),
            pltpu.VMEM((BPW,), jnp.int32),
            pltpu.VMEM((VOCAB,), jnp.int32),
            pltpu.VMEM((VOCAB,), jnp.int32),
            pltpu.VMEM((BPW, DIM), jnp.float32),
            pltpu.VMEM((BPW, DIM), jnp.float32),
            pltpu.VMEM((BPW,), jnp.float32),
            pltpu.VMEM_SHARED((VOCAB, DIM), jnp.float32),
            pltpu.VMEM_SHARED((VOCAB, DIM), jnp.float32),
            [pltpu.SemaphoreType.DMA] * (5 + 3 * NCHUNK),
        ],
        compiler_params=pltpu.CompilerParams(
            needs_layout_passes=False, use_tc_tiling_on_sc=False),
    )(user, item, user_factors, item_factors, user_map, item_map)


def kernel(user, item, user_factors, item_factors, user_map, item_map):
    return _svd_dot(user, item, user_factors, item_factors,
                    user_map, item_map)

# --- scband reference (transcript-rebuilt; emitter-appended) ---
"""Pipeline reference for scband-svdmodel-26585847562778 (READ-ONLY COPY).

The authoritative reference and input builder live on the scoring server;
editing this copy changes nothing except your own understanding.
"""

import jax, jax.numpy as jnp
import numpy as np

B = 16384
VOCAB = 1000
DIM = 64

def setup_inputs(seed: int = 0) -> dict:
    key = jax.random.key(seed)
    k1, k2, k3, k4 = jax.random.split(key, 4)
    user = jax.random.randint(k1, (B,), 0, VOCAB, dtype=jnp.int32)
    item = jax.random.randint(k2, (B,), 0, VOCAB, dtype=jnp.int32)
    # nn.Embedding weights initialized uniform_(0, 0.05)
    user_factors = jax.random.uniform(k3, (VOCAB, DIM), dtype=jnp.float32, minval=0.0, maxval=0.05)
    item_factors = jax.random.uniform(k4, (VOCAB, DIM), dtype=jnp.float32, minval=0.0, maxval=0.05)
    # user_map / item_map are identity lookup tables (id -> row index)
    user_map = jnp.arange(VOCAB, dtype=jnp.int32)
    item_map = jnp.arange(VOCAB, dtype=jnp.int32)
    return {"user": user, "item": item, "user_factors": user_factors, "item_factors": item_factors, "user_map": user_map, "item_map": item_map}

def reference(user, item, user_factors, item_factors, user_map, item_map):
    # torch: user_idx = [user_map[int(u)] for u in user] -> vectorized gather through the map table
    user_idx = jnp.take(user_map, user, axis=0)
    item_idx = jnp.take(item_map, item, axis=0)
    uf = jnp.take(user_factors, user_idx, axis=0)
    itf = jnp.take(item_factors, item_idx, axis=0)
    dot = (uf * itf).sum(axis=1)
    return dot

if __name__ == "__main__":
    import jax
    _d = setup_inputs()
    print(jax.jit(kernel)(*tuple(_d.values())))

</pallas_src>

<mosaic_0001>
#map = affine_map<(d0, d1) -> (0)>
#map1 = affine_map<(d0, d1) -> (0, 0)>
module attributes {stable_mosaic.version = 14 : i64} {
  func.func @_body(%arg0: i32, %arg1: i32, %arg2: memref<16384xi32, #tpu.memory_space<hbm>>, %arg3: memref<16384xi32, #tpu.memory_space<hbm>>, %arg4: memref<1000x64xf32, #tpu.memory_space<hbm>>, %arg5: memref<1000x64xf32, #tpu.memory_space<hbm>>, %arg6: memref<1000xi32, #tpu.memory_space<hbm>>, %arg7: memref<1000xi32, #tpu.memory_space<hbm>>, %arg8: memref<16384xf32, #tpu.memory_space<hbm>>, %arg9: memref<512xi32, #tpu.memory_space<vmem>>, %arg10: memref<512xi32, #tpu.memory_space<vmem>>, %arg11: memref<1000xi32, #tpu.memory_space<vmem>>, %arg12: memref<1000xi32, #tpu.memory_space<vmem>>, %arg13: memref<512x64xf32, #tpu.memory_space<vmem>>, %arg14: memref<512x64xf32, #tpu.memory_space<vmem>>, %arg15: memref<512xf32, #tpu.memory_space<vmem>>, %arg16: memref<1000x64xf32, #tpu.memory_space<vmem_shared>>, %arg17: memref<1000x64xf32, #tpu.memory_space<vmem_shared>>, %arg18: memref<!tpu.dma_semaphore, #tpu.memory_space<semaphore_mem>>, %arg19: memref<!tpu.dma_semaphore, #tpu.memory_space<semaphore_mem>>, %arg20: memref<!tpu.dma_semaphore, #tpu.memory_space<semaphore_mem>>, %arg21: memref<!tpu.dma_semaphore, #tpu.memory_space<semaphore_mem>>, %arg22: memref<!tpu.dma_semaphore, #tpu.memory_space<semaphore_mem>>, %arg23: memref<!tpu.dma_semaphore, #tpu.memory_space<semaphore_mem>>, %arg24: memref<!tpu.dma_semaphore, #tpu.memory_space<semaphore_mem>>, %arg25: memref<!tpu.dma_semaphore, #tpu.memory_space<semaphore_mem>>, %arg26: memref<!tpu.dma_semaphore, #tpu.memory_space<semaphore_mem>>, %arg27: memref<!tpu.dma_semaphore, #tpu.memory_space<semaphore_mem>>, %arg28: memref<!tpu.dma_semaphore, #tpu.memory_space<semaphore_mem>>, %arg29: memref<!tpu.dma_semaphore, #tpu.memory_space<semaphore_mem>>, %arg30: memref<!tpu.dma_semaphore, #tpu.memory_space<semaphore_mem>>, %arg31: memref<!tpu.dma_semaphore, #tpu.memory_space<semaphore_mem>>, %arg32: memref<!tpu.dma_semaphore, #tpu.memory_space<semaphore_mem>>, %arg33: memref<!tpu.dma_semaphore, #tpu.memory_space<semaphore_mem>>, %arg34: memref<!tpu.dma_semaphore, #tpu.memory_space<semaphore_mem>>) attributes {dimension_semantics = [#tpu.dimension_semantics<core_parallel>, #tpu.dimension_semantics<subcore_parallel>], iteration_bounds = array<i64: 2, 16>, scalar_prefetch = 0 : i64, scratch_operands = 26 : i64, tpu.core_type = #tpu.core_type<sc_vector_subcore>, window_params = [{transform_indices = #map}, {transform_indices = #map}, {transform_indices = #map1}, {transform_indices = #map1}, {transform_indices = #map}, {transform_indices = #map}, {transform_indices = #map}]} {
    %mul3A = arith.constant 2 : i32
    %mul3A_0 = arith.muli %arg1, %mul3A : i32
    %add3A = arith.addi %mul3A_0, %arg0 : i32
    %mul3A_1 = arith.constant 512 : i32
    %mul3A_2 = arith.muli %add3A, %mul3A_1 : i32
    %multiple_of3A = tpu.assume_multiple %mul3A_2, 512 : i32
    %jit3A = arith.constant 8 : i32
    %eq3A = arith.constant 0 : i32
    %eq3A_3 = arith.cmpi eq, %jit3A, %eq3A : i32
    %jit3A_4 = arith.constant 1 : i32
    %select_n3A = arith.select %eq3A_3, %jit3A_4, %jit3A : i32
    %rem3A = arith.remsi %arg1, %select_n3A : i32
    %ne3A = arith.constant 0 : i32
    %ne3A_5 = arith.cmpi ne, %rem3A, %ne3A : i32
    %lt3A = arith.constant 0 : i32
    %lt3A_6 = arith.cmpi slt, %rem3A, %lt3A : i32
    %lt3A_7 = arith.constant 0 : i32
    %lt3A_8 = arith.cmpi slt, %select_n3A, %lt3A_7 : i32
    %ne3A_9 = arith.xori %lt3A_6, %lt3A_8 : i1
    %and3A = arith.andi %ne3A_9, %ne3A_5 : i1
    %add3A_10 = arith.addi %rem3A, %select_n3A : i32
    %select_n3A_11 = arith.select %and3A, %add3A_10, %rem3A : i32
    %mul3A_12 = arith.constant 125 : i32
    %mul3A_13 = arith.muli %select_n3A_11, %mul3A_12 : i32
    %multiple_of3A_14 = tpu.assume_multiple %mul3A_13, 125 : i32
    %dma_start3A = tpu.memref_slice %arg2[%multiple_of3A] : memref<16384xi32, #tpu.memory_space<hbm>> -> memref<512xi32, #tpu.memory_space<hbm>>
    %dma_start3A_15 = tpu.memref_slice %arg2[%multiple_of3A] : memref<16384xi32, #tpu.memory_space<hbm>> -> memref<512xi32, #tpu.memory_space<hbm>>
    tpu.enqueue_dma source(%dma_start3A_15 : memref<512xi32, #tpu.memory_space<hbm>>) target(%arg9 : memref<512xi32, #tpu.memory_space<vmem>>) target_semaphore(%arg18 : memref<!tpu.dma_semaphore, #tpu.memory_space<semaphore_mem>>)
    %dma_start3A_16 = tpu.memref_slice %arg3[%multiple_of3A] : memref<16384xi32, #tpu.memory_space<hbm>> -> memref<512xi32, #tpu.memory_space<hbm>>
    %dma_start3A_17 = tpu.memref_slice %arg3[%multiple_of3A] : memref<16384xi32, #tpu.memory_space<hbm>> -> memref<512xi32, #tpu.memory_space<hbm>>
    tpu.enqueue_dma source(%dma_start3A_17 : memref<512xi32, #tpu.memory_space<hbm>>) target(%arg10 : memref<512xi32, #tpu.memory_space<vmem>>) target_semaphore(%arg19 : memref<!tpu.dma_semaphore, #tpu.memory_space<semaphore_mem>>)
    tpu.enqueue_dma source(%arg6 : memref<1000xi32, #tpu.memory_space<hbm>>) target(%arg11 : memref<1000xi32, #tpu.memory_space<vmem>>) target_semaphore(%arg20 : memref<!tpu.dma_semaphore, #tpu.memory_space<semaphore_mem>>)
    tpu.enqueue_dma source(%arg7 : memref<1000xi32, #tpu.memory_space<hbm>>) target(%arg12 : memref<1000xi32, #tpu.memory_space<vmem>>) target_semaphore(%arg21 : memref<!tpu.dma_semaphore, #tpu.memory_space<semaphore_mem>>)
    %lt3A_18 = arith.constant 8 : i32
    %lt3A_19 = arith.cmpi slt, %arg1, %lt3A_18 : i32
    %convert_element_type3A = arith.extui %lt3A_19 : i1 to i32
    %cond3A = arith.constant 0 : i32
    %cond3A_20 = arith.cmpi ne, %convert_element_type3A, %cond3A : i32
    scf.if %cond3A_20 {
      %dma_start3A_259 = arith.constant 0 : i32
      %dma_start3A_260 = tpu.memref_slice %arg16[%multiple_of3A_14, %dma_start3A_259] : memref<1000x64xf32, #tpu.memory_space<vmem_shared>> -> memref<125x64xf32, #tpu.memory_space<vmem_shared>>
      %dma_start3A_261 = arith.constant 0 : i32
      %dma_start3A_262 = tpu.memref_slice %arg4[%multiple_of3A_14, %dma_start3A_261] : memref<1000x64xf32, #tpu.memory_space<hbm>> -> memref<125x64xf32, #tpu.memory_space<hbm>>
      tpu.enqueue_dma source(%dma_start3A_262 : memref<125x64xf32, #tpu.memory_space<hbm>>) target(%dma_start3A_260 : memref<125x64xf32, #tpu.memory_space<vmem_shared>>) target_semaphore(%arg30 : memref<!tpu.dma_semaphore, #tpu.memory_space<semaphore_mem>>)
      %dma_wait3A_263 = arith.constant 0 : i32
      %dma_wait3A_264 = tpu.memref_slice %arg16[%multiple_of3A_14, %dma_wait3A_263] : memref<1000x64xf32, #tpu.memory_space<vmem_shared>> -> memref<125x64xf32, #tpu.memory_space<vmem_shared>>
      %dma_wait3A_265 = arith.constant 0 : i32
      %dma_wait3A_266 = tpu.memref_slice %arg4[%multiple_of3A_14, %dma_wait3A_265] : memref<1000x64xf32, #tpu.memory_space<hbm>> -> memref<125x64xf32, #tpu.memory_space<hbm>>
      tpu.wait_dma2 semaphore(%arg30 : memref<!tpu.dma_semaphore, #tpu.memory_space<semaphore_mem>>) src(%dma_wait3A_266 : memref<125x64xf32, #tpu.memory_space<hbm>>) dst(%dma_wait3A_264 : memref<125x64xf32, #tpu.memory_space<vmem_shared>>)
    } else {
    }
    %ge3A = arith.constant 8 : i32
    %ge3A_21 = arith.cmpi sge, %arg1, %ge3A : i32
    %convert_element_type3A_22 = arith.extui %ge3A_21 : i1 to i32
    %cond3A_23 = arith.constant 0 : i32
    %cond3A_24 = arith.cmpi ne, %convert_element_type3A_22, %cond3A_23 : i32
    scf.if %cond3A_24 {
      %dma_start3A_259 = arith.constant 0 : i32
      %dma_start3A_260 = tpu.memref_slice %arg17[%multiple_of3A_14, %dma_start3A_259] : memref<1000x64xf32, #tpu.memory_space<vmem_shared>> -> memref<125x64xf32, #tpu.memory_space<vmem_shared>>
      %dma_start3A_261 = arith.constant 0 : i32
      %dma_start3A_262 = tpu.memref_slice %arg5[%multiple_of3A_14, %dma_start3A_261] : memref<1000x64xf32, #tpu.memory_space<hbm>> -> memref<125x64xf32, #tpu.memory_space<hbm>>
      tpu.enqueue_dma source(%dma_start3A_262 : memref<125x64xf32, #tpu.memory_space<hbm>>) target(%dma_start3A_260 : memref<125x64xf32, #tpu.memory_space<vmem_shared>>) target_semaphore(%arg30 : memref<!tpu.dma_semaphore, #tpu.memory_space<semaphore_mem>>)
      %dma_wait3A_263 = arith.constant 0 : i32
      %dma_wait3A_264 = tpu.memref_slice %arg17[%multiple_of3A_14, %dma_wait3A_263] : memref<1000x64xf32, #tpu.memory_space<vmem_shared>> -> memref<125x64xf32, #tpu.memory_space<vmem_shared>>
      %dma_wait3A_265 = arith.constant 0 : i32
      %dma_wait3A_266 = tpu.memref_slice %arg5[%multiple_of3A_14, %dma_wait3A_265] : memref<1000x64xf32, #tpu.memory_space<hbm>> -> memref<125x64xf32, #tpu.memory_space<hbm>>
      tpu.wait_dma2 semaphore(%arg30 : memref<!tpu.dma_semaphore, #tpu.memory_space<semaphore_mem>>) src(%dma_wait3A_266 : memref<125x64xf32, #tpu.memory_space<hbm>>) dst(%dma_wait3A_264 : memref<125x64xf32, #tpu.memory_space<vmem_shared>>)
    } else {
    }
    %dma_wait3A = tpu.memref_slice %arg2[%multiple_of3A] : memref<16384xi32, #tpu.memory_space<hbm>> -> memref<512xi32, #tpu.memory_space<hbm>>
    %dma_wait3A_25 = tpu.memref_slice %arg2[%multiple_of3A] : memref<16384xi32, #tpu.memory_space<hbm>> -> memref<512xi32, #tpu.memory_space<hbm>>
    tpu.wait_dma2 semaphore(%arg18 : memref<!tpu.dma_semaphore, #tpu.memory_space<semaphore_mem>>) src(%dma_wait3A_25 : memref<512xi32, #tpu.memory_space<hbm>>) dst(%arg9 : memref<512xi32, #tpu.memory_space<vmem>>)
    %dma_wait3A_26 = tpu.memref_slice %arg3[%multiple_of3A] : memref<16384xi32, #tpu.memory_space<hbm>> -> memref<512xi32, #tpu.memory_space<hbm>>
    %dma_wait3A_27 = tpu.memref_slice %arg3[%multiple_of3A] : memref<16384xi32, #tpu.memory_space<hbm>> -> memref<512xi32, #tpu.memory_space<hbm>>
    tpu.wait_dma2 semaphore(%arg19 : memref<!tpu.dma_semaphore, #tpu.memory_space<semaphore_mem>>) src(%dma_wait3A_27 : memref<512xi32, #tpu.memory_space<hbm>>) dst(%arg10 : memref<512xi32, #tpu.memory_space<vmem>>)
    tpu.wait_dma2 semaphore(%arg20 : memref<!tpu.dma_semaphore, #tpu.memory_space<semaphore_mem>>) src(%arg6 : memref<1000xi32, #tpu.memory_space<hbm>>) dst(%arg11 : memref<1000xi32, #tpu.memory_space<vmem>>)
    tpu.wait_dma2 semaphore(%arg21 : memref<!tpu.dma_semaphore, #tpu.memory_space<semaphore_mem>>) src(%arg7 : memref<1000xi32, #tpu.memory_space<hbm>>) dst(%arg12 : memref<1000xi32, #tpu.memory_space<vmem>>)
    %scan3A = arith.constant 0 : i32
    %scan3A_28 = arith.constant 0 : i32
    %scan3A_29 = arith.constant 8 : i32
    %scan3A_30 = arith.addi %scan3A_28, %scan3A_29 : i32
    %scan3A_31 = arith.constant 1 : i32
    scf.for %scan3A_259 = %scan3A_28 to %scan3A_30 step %scan3A_31  : i32 {
      %add3A_260 = arith.constant 0 : i32
      %add3A_261 = arith.addi %add3A_260, %scan3A_259 : i32
      %mul3A_262 = arith.constant 16 : i32
      %mul3A_263 = arith.muli %add3A_261, %mul3A_262 : i32
      %multiple_of3A_264 = tpu.assume_multiple %mul3A_263, 16 : i32
      %get3A = arith.index_cast %multiple_of3A_264 : i32 to index
      %get3A_265 = tpu.vector_load %arg9[%get3A] {strides = array<i32>} : memref<512xi32, #tpu.memory_space<vmem>>, vector<16xi32>,
      %get3A_266 = arith.index_cast %multiple_of3A_264 : i32 to index
      %get3A_267 = tpu.vector_load %arg10[%get3A_266] {strides = array<i32>} : memref<512xi32, #tpu.memory_space<vmem>>, vector<16xi32>,
      %gather3A = tpu.vector_load_idx %arg11[%get3A_265] : memref<1000xi32, #tpu.memory_space<vmem>>[vector<16xi32>], vector<16xi32>,
      %swap3A = arith.index_cast %multiple_of3A_264 : i32 to index
      %swap3A_268 = tpu.vector_load %arg9[%swap3A] {strides = array<i32>} : memref<512xi32, #tpu.memory_space<vmem>>, vector<16xi32>,
      tpu.vector_store %arg9[%swap3A], %gather3A {strides = array<i32>} : memref<512xi32, #tpu.memory_space<vmem>>, vector<16xi32>,
      %gather3A_269 = tpu.vector_load_idx %arg12[%get3A_267] : memref<1000xi32, #tpu.memory_space<vmem>>[vector<16xi32>], vector<16xi32>,
      %swap3A_270 = arith.index_cast %multiple_of3A_264 : i32 to index
      %swap3A_271 = tpu.vector_load %arg10[%swap3A_270] {strides = array<i32>} : memref<512xi32, #tpu.memory_space<vmem>>, vector<16xi32>,
      tpu.vector_store %arg10[%swap3A_270], %gather3A_269 {strides = array<i32>} : memref<512xi32, #tpu.memory_space<vmem>>, vector<16xi32>,
    }
    %scan3A_32 = arith.constant 8 : i32
    %barrier3A = arith.constant 0 : index
    tpu.barrier barrier_id(%barrier3A)
    %dma_start3A_33 = arith.constant 0 : i32
    %dma_start3A_34 = arith.constant 0 : i32
    %dma_start3A_35 = tpu.memref_slice %arg13[%dma_start3A_33, %dma_start3A_34] : memref<512x64xf32, #tpu.memory_space<vmem>> -> memref<128x64xf32, #tpu.memory_space<vmem>>
    %dma_start3A_36 = arith.constant 0 : i32
    %dma_start3A_37 = tpu.memref_slice %arg9[%dma_start3A_36] : memref<512xi32, #tpu.memory_space<vmem>> -> memref<128xi32, #tpu.memory_space<vmem>>
    %dma_start3A_38 = arith.constant 0 : i32
    %dma_start3A_39 = arith.constant 0 : i32
    %dma_start3A_40 = tpu.memref_slice %arg16[%dma_start3A_38, %dma_start3A_39] : memref<1000x64xf32, #tpu.memory_space<vmem_shared>> -> memref<1000x64xf32, #tpu.memory_space<vmem_shared>>
    tpu.enqueue_indirect_dma source(%dma_start3A_40 : memref<1000x64xf32, #tpu.memory_space<vmem_shared>>) target(%dma_start3A_35 : memref<128x64xf32, #tpu.memory_space<vmem>>) offsets(%dma_start3A_37 : memref<128xi32, #tpu.memory_space<vmem>>) semaphore(%arg22 : memref<!tpu.dma_semaphore, #tpu.memory_space<semaphore_mem>>)
    %dma_start3A_41 = arith.constant 0 : i32
    %dma_start3A_42 = arith.constant 0 : i32
    %dma_start3A_43 = tpu.memref_slice %arg14[%dma_start3A_41, %dma_start3A_42] : memref<512x64xf32, #tpu.memory_space<vmem>> -> memref<128x64xf32, #tpu.memory_space<vmem>>
    %dma_start3A_44 = arith.constant 0 : i32
    %dma_start3A_45 = tpu.memref_slice %arg10[%dma_start3A_44] : memref<512xi32, #tpu.memory_space<vmem>> -> memref<128xi32, #tpu.memory_space<vmem>>
    %dma_start3A_46 = arith.constant 0 : i32
    %dma_start3A_47 = arith.constant 0 : i32
    %dma_start3A_48 = tpu.memref_slice %arg17[%dma_start3A_46, %dma_start3A_47] : memref<1000x64xf32, #tpu.memory_space<vmem_shared>> -> memref<1000x64xf32, #tpu.memory_space<vmem_shared>>
    tpu.enqueue_indirect_dma source(%dma_start3A_48 : memref<1000x64xf32, #tpu.memory_space<vmem_shared>>) target(%dma_start3A_43 : memref<128x64xf32, #tpu.memory_space<vmem>>) offsets(%dma_start3A_45 : memref<128xi32, #tpu.memory_space<vmem>>) semaphore(%arg23 : memref<!tpu.dma_semaphore, #tpu.memory_space<semaphore_mem>>)
    %scan3A_49 = arith.constant 0 : i32
    %scan3A_50 = arith.constant 0 : i32
    %scan3A_51 = arith.constant 8 : i32
    %scan3A_52 = arith.addi %scan3A_50, %scan3A_51 : i32
    %scan3A_53 = arith.constant 1 : i32
    scf.for %scan3A_259 = %scan3A_50 to %scan3A_52 step %scan3A_53  : i32 {
      %add3A_260 = arith.constant 8 : i32
      %add3A_261 = arith.addi %add3A_260, %scan3A_259 : i32
      %mul3A_262 = arith.constant 16 : i32
      %mul3A_263 = arith.muli %add3A_261, %mul3A_262 : i32
      %multiple_of3A_264 = tpu.assume_multiple %mul3A_263, 16 : i32
      %get3A = arith.index_cast %multiple_of3A_264 : i32 to index
      %get3A_265 = tpu.vector_load %arg9[%get3A] {strides = array<i32>} : memref<512xi32, #tpu.memory_space<vmem>>, vector<16xi32>,
      %get3A_266 = arith.index_cast %multiple_of3A_264 : i32 to index
      %get3A_267 = tpu.vector_load %arg10[%get3A_266] {strides = array<i32>} : memref<512xi32, #tpu.memory_space<vmem>>, vector<16xi32>,
      %gather3A = tpu.vector_load_idx %arg11[%get3A_265] : memref<1000xi32, #tpu.memory_space<vmem>>[vector<16xi32>], vector<16xi32>,
      %swap3A = arith.index_cast %multiple_of3A_264 : i32 to index
      %swap3A_268 = tpu.vector_load %arg9[%swap3A] {strides = array<i32>} : memref<512xi32, #tpu.memory_space<vmem>>, vector<16xi32>,
      tpu.vector_store %arg9[%swap3A], %gather3A {strides = array<i32>} : memref<512xi32, #tpu.memory_space<vmem>>, vector<16xi32>,
      %gather3A_269 = tpu.vector_load_idx %arg12[%get3A_267] : memref<1000xi32, #tpu.memory_space<vmem>>[vector<16xi32>], vector<16xi32>,
      %swap3A_270 = arith.index_cast %multiple_of3A_264 : i32 to index
      %swap3A_271 = tpu.vector_load %arg10[%swap3A_270] {strides = array<i32>} : memref<512xi32, #tpu.memory_space<vmem>>, vector<16xi32>,
      tpu.vector_store %arg10[%swap3A_270], %gather3A_269 {strides = array<i32>} : memref<512xi32, #tpu.memory_space<vmem>>, vector<16xi32>,
    }
    %scan3A_54 = arith.constant 8 : i32
    %dma_start3A_55 = arith.constant 128 : i32
    %dma_start3A_56 = arith.constant 0 : i32
    %dma_start3A_57 = tpu.memref_slice %arg13[%dma_start3A_55, %dma_start3A_56] : memref<512x64xf32, #tpu.memory_space<vmem>> -> memref<128x64xf32, #tpu.memory_space<vmem>>
    %dma_start3A_58 = arith.constant 128 : i32
    %dma_start3A_59 = tpu.memref_slice %arg9[%dma_start3A_58] : memref<512xi32, #tpu.memory_space<vmem>> -> memref<128xi32, #tpu.memory_space<vmem>>
    %dma_start3A_60 = arith.constant 0 : i32
    %dma_start3A_61 = arith.constant 0 : i32
    %dma_start3A_62 = tpu.memref_slice %arg16[%dma_start3A_60, %dma_start3A_61] : memref<1000x64xf32, #tpu.memory_space<vmem_shared>> -> memref<1000x64xf32, #tpu.memory_space<vmem_shared>>
    tpu.enqueue_indirect_dma source(%dma_start3A_62 : memref<1000x64xf32, #tpu.memory_space<vmem_shared>>) target(%dma_start3A_57 : memref<128x64xf32, #tpu.memory_space<vmem>>) offsets(%dma_start3A_59 : memref<128xi32, #tpu.memory_space<vmem>>) semaphore(%arg24 : memref<!tpu.dma_semaphore, #tpu.memory_space<semaphore_mem>>)
    %dma_start3A_63 = arith.constant 128 : i32
    %dma_start3A_64 = arith.constant 0 : i32
    %dma_start3A_65 = tpu.memref_slice %arg14[%dma_start3A_63, %dma_start3A_64] : memref<512x64xf32, #tpu.memory_space<vmem>> -> memref<128x64xf32, #tpu.memory_space<vmem>>
    %dma_start3A_66 = arith.constant 128 : i32
    %dma_start3A_67 = tpu.memref_slice %arg10[%dma_start3A_66] : memref<512xi32, #tpu.memory_space<vmem>> -> memref<128xi32, #tpu.memory_space<vmem>>
    %dma_start3A_68 = arith.constant 0 : i32
    %dma_start3A_69 = arith.constant 0 : i32
    %dma_start3A_70 = tpu.memref_slice %arg17[%dma_start3A_68, %dma_start3A_69] : memref<1000x64xf32, #tpu.memory_space<vmem_shared>> -> memref<1000x64xf32, #tpu.memory_space<vmem_shared>>
    tpu.enqueue_indirect_dma source(%dma_start3A_70 : memref<1000x64xf32, #tpu.memory_space<vmem_shared>>) target(%dma_start3A_65 : memref<128x64xf32, #tpu.memory_space<vmem>>) offsets(%dma_start3A_67 : memref<128xi32, #tpu.memory_space<vmem>>) semaphore(%arg25 : memref<!tpu.dma_semaphore, #tpu.memory_space<semaphore_mem>>)
    %scan3A_71 = arith.constant 0 : i32
    %scan3A_72 = arith.constant 0 : i32
    %scan3A_73 = arith.constant 8 : i32
    %scan3A_74 = arith.addi %scan3A_72, %scan3A_73 : i32
    %scan3A_75 = arith.constant 1 : i32
    scf.for %scan3A_259 = %scan3A_72 to %scan3A_74 step %scan3A_75  : i32 {
      %add3A_260 = arith.constant 16 : i32
      %add3A_261 = arith.addi %add3A_260, %scan3A_259 : i32
      %mul3A_262 = arith.constant 16 : i32
      %mul3A_263 = arith.muli %add3A_261, %mul3A_262 : i32
      %multiple_of3A_264 = tpu.assume_multiple %mul3A_263, 16 : i32
      %get3A = arith.index_cast %multiple_of3A_264 : i32 to index
      %get3A_265 = tpu.vector_load %arg9[%get3A] {strides = array<i32>} : memref<512xi32, #tpu.memory_space<vmem>>, vector<16xi32>,
      %get3A_266 = arith.index_cast %multiple_of3A_264 : i32 to index
      %get3A_267 = tpu.vector_load %arg10[%get3A_266] {strides = array<i32>} : memref<512xi32, #tpu.memory_space<vmem>>, vector<16xi32>,
      %gather3A = tpu.vector_load_idx %arg11[%get3A_265] : memref<1000xi32, #tpu.memory_space<vmem>>[vector<16xi32>], vector<16xi32>,
      %swap3A = arith.index_cast %multiple_of3A_264 : i32 to index
      %swap3A_268 = tpu.vector_load %arg9[%swap3A] {strides = array<i32>} : memref<512xi32, #tpu.memory_space<vmem>>, vector<16xi32>,
      tpu.vector_store %arg9[%swap3A], %gather3A {strides = array<i32>} : memref<512xi32, #tpu.memory_space<vmem>>, vector<16xi32>,
      %gather3A_269 = tpu.vector_load_idx %arg12[%get3A_267] : memref<1000xi32, #tpu.memory_space<vmem>>[vector<16xi32>], vector<16xi32>,
      %swap3A_270 = arith.index_cast %multiple_of3A_264 : i32 to index
      %swap3A_271 = tpu.vector_load %arg10[%swap3A_270] {strides = array<i32>} : memref<512xi32, #tpu.memory_space<vmem>>, vector<16xi32>,
      tpu.vector_store %arg10[%swap3A_270], %gather3A_269 {strides = array<i32>} : memref<512xi32, #tpu.memory_space<vmem>>, vector<16xi32>,
    }
    %scan3A_76 = arith.constant 8 : i32
    %dma_start3A_77 = arith.constant 256 : i32
    %dma_start3A_78 = arith.constant 0 : i32
    %dma_start3A_79 = tpu.memref_slice %arg13[%dma_start3A_77, %dma_start3A_78] : memref<512x64xf32, #tpu.memory_space<vmem>> -> memref<128x64xf32, #tpu.memory_space<vmem>>
    %dma_start3A_80 = arith.constant 256 : i32
    %dma_start3A_81 = tpu.memref_slice %arg9[%dma_start3A_80] : memref<512xi32, #tpu.memory_space<vmem>> -> memref<128xi32, #tpu.memory_space<vmem>>
    %dma_start3A_82 = arith.constant 0 : i32
    %dma_start3A_83 = arith.constant 0 : i32
    %dma_start3A_84 = tpu.memref_slice %arg16[%dma_start3A_82, %dma_start3A_83] : memref<1000x64xf32, #tpu.memory_space<vmem_shared>> -> memref<1000x64xf32, #tpu.memory_space<vmem_shared>>
    tpu.enqueue_indirect_dma source(%dma_start3A_84 : memref<1000x64xf32, #tpu.memory_space<vmem_shared>>) target(%dma_start3A_79 : memref<128x64xf32, #tpu.memory_space<vmem>>) offsets(%dma_start3A_81 : memref<128xi32, #tpu.memory_space<vmem>>) semaphore(%arg26 : memref<!tpu.dma_semaphore, #tpu.memory_space<semaphore_mem>>)
    %dma_start3A_85 = arith.constant 256 : i32
    %dma_start3A_86 = arith.constant 0 : i32
    %dma_start3A_87 = tpu.memref_slice %arg14[%dma_start3A_85, %dma_start3A_86] : memref<512x64xf32, #tpu.memory_space<vmem>> -> memref<128x64xf32, #tpu.memory_space<vmem>>
    %dma_start3A_88 = arith.constant 256 : i32
    %dma_start3A_89 = tpu.memref_slice %arg10[%dma_start3A_88] : memref<512xi32, #tpu.memory_space<vmem>> -> memref<128xi32, #tpu.memory_space<vmem>>
    %dma_start3A_90 = arith.constant 0 : i32
    %dma_start3A_91 = arith.constant 0 : i32
    %dma_start3A_92 = tpu.memref_slice %arg17[%dma_start3A_90, %dma_start3A_91] : memref<1000x64xf32, #tpu.memory_space<vmem_shared>> -> memref<1000x64xf32, #tpu.memory_space<vmem_shared>>
    tpu.enqueue_indirect_dma source(%dma_start3A_92 : memref<1000x64xf32, #tpu.memory_space<vmem_shared>>) target(%dma_start3A_87 : memref<128x64xf32, #tpu.memory_space<vmem>>) offsets(%dma_start3A_89 : memref<128xi32, #tpu.memory_space<vmem>>) semaphore(%arg27 : memref<!tpu.dma_semaphore, #tpu.memory_space<semaphore_mem>>)
    %scan3A_93 = arith.constant 0 : i32
    %scan3A_94 = arith.constant 0 : i32
    %scan3A_95 = arith.constant 8 : i32
    %scan3A_96 = arith.addi %scan3A_94, %scan3A_95 : i32
    %scan3A_97 = arith.constant 1 : i32
    scf.for %scan3A_259 = %scan3A_94 to %scan3A_96 step %scan3A_97  : i32 {
      %add3A_260 = arith.constant 24 : i32
      %add3A_261 = arith.addi %add3A_260, %scan3A_259 : i32
      %mul3A_262 = arith.constant 16 : i32
      %mul3A_263 = arith.muli %add3A_261, %mul3A_262 : i32
      %multiple_of3A_264 = tpu.assume_multiple %mul3A_263, 16 : i32
      %get3A = arith.index_cast %multiple_of3A_264 : i32 to index
      %get3A_265 = tpu.vector_load %arg9[%get3A] {strides = array<i32>} : memref<512xi32, #tpu.memory_space<vmem>>, vector<16xi32>,
      %get3A_266 = arith.index_cast %multiple_of3A_264 : i32 to index
      %get3A_267 = tpu.vector_load %arg10[%get3A_266] {strides = array<i32>} : memref<512xi32, #tpu.memory_space<vmem>>, vector<16xi32>,
      %gather3A = tpu.vector_load_idx %arg11[%get3A_265] : memref<1000xi32, #tpu.memory_space<vmem>>[vector<16xi32>], vector<16xi32>,
      %swap3A = arith.index_cast %multiple_of3A_264 : i32 to index
      %swap3A_268 = tpu.vector_load %arg9[%swap3A] {strides = array<i32>} : memref<512xi32, #tpu.memory_space<vmem>>, vector<16xi32>,
      tpu.vector_store %arg9[%swap3A], %gather3A {strides = array<i32>} : memref<512xi32, #tpu.memory_space<vmem>>, vector<16xi32>,
      %gather3A_269 = tpu.vector_load_idx %arg12[%get3A_267] : memref<1000xi32, #tpu.memory_space<vmem>>[vector<16xi32>], vector<16xi32>,
      %swap3A_270 = arith.index_cast %multiple_of3A_264 : i32 to index
      %swap3A_271 = tpu.vector_load %arg10[%swap3A_270] {strides = array<i32>} : memref<512xi32, #tpu.memory_space<vmem>>, vector<16xi32>,
      tpu.vector_store %arg10[%swap3A_270], %gather3A_269 {strides = array<i32>} : memref<512xi32, #tpu.memory_space<vmem>>, vector<16xi32>,
    }
    %scan3A_98 = arith.constant 8 : i32
    %dma_start3A_99 = arith.constant 384 : i32
    %dma_start3A_100 = arith.constant 0 : i32
    %dma_start3A_101 = tpu.memref_slice %arg13[%dma_start3A_99, %dma_start3A_100] : memref<512x64xf32, #tpu.memory_space<vmem>> -> memref<128x64xf32, #tpu.memory_space<vmem>>
    %dma_start3A_102 = arith.constant 384 : i32
    %dma_start3A_103 = tpu.memref_slice %arg9[%dma_start3A_102] : memref<512xi32, #tpu.memory_space<vmem>> -> memref<128xi32, #tpu.memory_space<vmem>>
    %dma_start3A_104 = arith.constant 0 : i32
    %dma_start3A_105 = arith.constant 0 : i32
    %dma_start3A_106 = tpu.memref_slice %arg16[%dma_start3A_104, %dma_start3A_105] : memref<1000x64xf32, #tpu.memory_space<vmem_shared>> -> memref<1000x64xf32, #tpu.memory_space<vmem_shared>>
    tpu.enqueue_indirect_dma source(%dma_start3A_106 : memref<1000x64xf32, #tpu.memory_space<vmem_shared>>) target(%dma_start3A_101 : memref<128x64xf32, #tpu.memory_space<vmem>>) offsets(%dma_start3A_103 : memref<128xi32, #tpu.memory_space<vmem>>) semaphore(%arg28 : memref<!tpu.dma_semaphore, #tpu.memory_space<semaphore_mem>>)
    %dma_start3A_107 = arith.constant 384 : i32
    %dma_start3A_108 = arith.constant 0 : i32
    %dma_start3A_109 = tpu.memref_slice %arg14[%dma_start3A_107, %dma_start3A_108] : memref<512x64xf32, #tpu.memory_space<vmem>> -> memref<128x64xf32, #tpu.memory_space<vmem>>
    %dma_start3A_110 = arith.constant 384 : i32
    %dma_start3A_111 = tpu.memref_slice %arg10[%dma_start3A_110] : memref<512xi32, #tpu.memory_space<vmem>> -> memref<128xi32, #tpu.memory_space<vmem>>
    %dma_start3A_112 = arith.constant 0 : i32
    %dma_start3A_113 = arith.constant 0 : i32
    %dma_start3A_114 = tpu.memref_slice %arg17[%dma_start3A_112, %dma_start3A_113] : memref<1000x64xf32, #tpu.memory_space<vmem_shared>> -> memref<1000x64xf32, #tpu.memory_space<vmem_shared>>
    tpu.enqueue_indirect_dma source(%dma_start3A_114 : memref<1000x64xf32, #tpu.memory_space<vmem_shared>>) target(%dma_start3A_109 : memref<128x64xf32, #tpu.memory_space<vmem>>) offsets(%dma_start3A_111 : memref<128xi32, #tpu.memory_space<vmem>>) semaphore(%arg29 : memref<!tpu.dma_semaphore, #tpu.memory_space<semaphore_mem>>)
    %iota3A = tpu.iota {dimensions = array<i32: 0>} : vector<16xi32>
    %dma_wait3A_115 = arith.constant 0 : i32
    %dma_wait3A_116 = arith.constant 0 : i32
    %dma_wait3A_117 = tpu.memref_slice %arg13[%dma_wait3A_115, %dma_wait3A_116] : memref<512x64xf32, #tpu.memory_space<vmem>> -> memref<128x64xf32, #tpu.memory_space<vmem>>
    %dma_wait3A_118 = arith.constant 0 : i32
    %dma_wait3A_119 = tpu.memref_slice %arg9[%dma_wait3A_118] : memref<512xi32, #tpu.memory_space<vmem>> -> memref<128xi32, #tpu.memory_space<vmem>>
    %dma_wait3A_120 = arith.constant 0 : i32
    %dma_wait3A_121 = arith.constant 0 : i32
    %dma_wait3A_122 = tpu.memref_slice %arg16[%dma_wait3A_120, %dma_wait3A_121] : memref<1000x64xf32, #tpu.memory_space<vmem_shared>> -> memref<1000x64xf32, #tpu.memory_space<vmem_shared>>
    tpu.wait_indirect_dma semaphore(%arg22 : memref<!tpu.dma_semaphore, #tpu.memory_space<semaphore_mem>>) src(%dma_wait3A_122 : memref<1000x64xf32, #tpu.memory_space<vmem_shared>>) dst(%dma_wait3A_117 : memref<128x64xf32, #tpu.memory_space<vmem>>)
    %dma_wait3A_123 = arith.constant 0 : i32
    %dma_wait3A_124 = arith.constant 0 : i32
    %dma_wait3A_125 = tpu.memref_slice %arg14[%dma_wait3A_123, %dma_wait3A_124] : memref<512x64xf32, #tpu.memory_space<vmem>> -> memref<128x64xf32, #tpu.memory_space<vmem>>
    %dma_wait3A_126 = arith.constant 0 : i32
    %dma_wait3A_127 = tpu.memref_slice %arg10[%dma_wait3A_126] : memref<512xi32, #tpu.memory_space<vmem>> -> memref<128xi32, #tpu.memory_space<vmem>>
    %dma_wait3A_128 = arith.constant 0 : i32
    %dma_wait3A_129 = arith.constant 0 : i32
    %dma_wait3A_130 = tpu.memref_slice %arg17[%dma_wait3A_128, %dma_wait3A_129] : memref<1000x64xf32, #tpu.memory_space<vmem_shared>> -> memref<1000x64xf32, #tpu.memory_space<vmem_shared>>
    tpu.wait_indirect_dma semaphore(%arg23 : memref<!tpu.dma_semaphore, #tpu.memory_space<semaphore_mem>>) src(%dma_wait3A_130 : memref<1000x64xf32, #tpu.memory_space<vmem_shared>>) dst(%dma_wait3A_125 : memref<128x64xf32, #tpu.memory_space<vmem>>)
    %scan3A_131 = arith.constant 0 : i32
    %scan3A_132 = arith.constant 0 : i32
    %scan3A_133 = arith.constant 8 : i32
    %scan3A_134 = arith.addi %scan3A_132, %scan3A_133 : i32
    %scan3A_135 = arith.constant 1 : i32
    scf.for %scan3A_259 = %scan3A_132 to %scan3A_134 step %scan3A_135  : i32 {
      %add3A_260 = arith.constant 0 : i32
      %add3A_261 = arith.addi %add3A_260, %scan3A_259 : i32
      %mul3A_262 = arith.constant 16 : i32
      %mul3A_263 = arith.muli %add3A_261, %mul3A_262 : i32
      %add3A_264 = vector.broadcast %mul3A_263 : i32 to vector<16xi32>
      %add3A_265 = arith.addi %add3A_264, %iota3A : vector<16xi32>
      %broadcast_in_dim3A = arith.constant 0.000000e+00 : f32
      %broadcast_in_dim3A_266 = vector.broadcast %broadcast_in_dim3A : f32 to vector<16xf32>
      %scan3A_267 = arith.constant 0 : i32
      %scan3A_268 = arith.constant 8 : i32
      %scan3A_269 = arith.addi %scan3A_267, %scan3A_268 : i32
      %scan3A_270 = arith.constant 1 : i32
      %scan3A_271:2 = scf.for %scan3A_279 = %scan3A_267 to %scan3A_269 step %scan3A_270 iter_args(%scan3A_280 = %broadcast_in_dim3A_266, %scan3A_281 = %iota3A) -> (vector<16xf32>, vector<16xi32>)  : i32 {
        %gather3A = tpu.vector_load_idx %arg13[%add3A_265, %scan3A_281] : memref<512x64xf32, #tpu.memory_space<vmem>>[vector<16xi32>, vector<16xi32>], vector<16xf32>,
        %gather3A_282 = tpu.vector_load_idx %arg14[%add3A_265, %scan3A_281] : memref<512x64xf32, #tpu.memory_space<vmem>>[vector<16xi32>, vector<16xi32>], vector<16xf32>,
        %mul3A_283 = arith.mulf %gather3A, %gather3A_282 : vector<16xf32>
        %add3A_284 = arith.addf %scan3A_280, %mul3A_283 : vector<16xf32>
        %add3A_285 = arith.constant 1 : i32
        %add3A_286 = vector.broadcast %add3A_285 : i32 to vector<16xi32>
        %add3A_287 = arith.addi %scan3A_281, %add3A_286 : vector<16xi32>
        %and3A_288 = arith.constant 63 : i32
        %and3A_289 = vector.broadcast %and3A_288 : i32 to vector<16xi32>
        %and3A_290 = arith.andi %add3A_287, %and3A_289 : vector<16xi32>
        %gather3A_291 = tpu.vector_load_idx %arg13[%add3A_265, %and3A_290] : memref<512x64xf32, #tpu.memory_space<vmem>>[vector<16xi32>, vector<16xi32>], vector<16xf32>,
        %gather3A_292 = tpu.vector_load_idx %arg14[%add3A_265, %and3A_290] : memref<512x64xf32, #tpu.memory_space<vmem>>[vector<16xi32>, vector<16xi32>], vector<16xf32>,
        %mul3A_293 = arith.mulf %gather3A_291, %gather3A_292 : vector<16xf32>
        %add3A_294 = arith.addf %add3A_284, %mul3A_293 : vector<16xf32>
        %add3A_295 = arith.constant 1 : i32
        %add3A_296 = vector.broadcast %add3A_295 : i32 to vector<16xi32>
        %add3A_297 = arith.addi %and3A_290, %add3A_296 : vector<16xi32>
        %and3A_298 = arith.constant 63 : i32
        %and3A_299 = vector.broadcast %and3A_298 : i32 to vector<16xi32>
        %and3A_300 = arith.andi %add3A_297, %and3A_299 : vector<16xi32>
        %gather3A_301 = tpu.vector_load_idx %arg13[%add3A_265, %and3A_300] : memref<512x64xf32, #tpu.memory_space<vmem>>[vector<16xi32>, vector<16xi32>], vector<16xf32>,
        %gather3A_302 = tpu.vector_load_idx %arg14[%add3A_265, %and3A_300] : memref<512x64xf32, #tpu.memory_space<vmem>>[vector<16xi32>, vector<16xi32>], vector<16xf32>,
        %mul3A_303 = arith.mulf %gather3A_301, %gather3A_302 : vector<16xf32>
        %add3A_304 = arith.addf %add3A_294, %mul3A_303 : vector<16xf32>
        %add3A_305 = arith.constant 1 : i32
        %add3A_306 = vector.broadcast %add3A_305 : i32 to vector<16xi32>
        %add3A_307 = arith.addi %and3A_300, %add3A_306 : vector<16xi32>
        %and3A_308 = arith.constant 63 : i32
        %and3A_309 = vector.broadcast %and3A_308 : i32 to vector<16xi32>
        %and3A_310 = arith.andi %add3A_307, %and3A_309 : vector<16xi32>
        %gather3A_311 = tpu.vector_load_idx %arg13[%add3A_265, %and3A_310] : memref<512x64xf32, #tpu.memory_space<vmem>>[vector<16xi32>, vector<16xi32>], vector<16xf32>,
        %gather3A_312 = tpu.vector_load_idx %arg14[%add3A_265, %and3A_310] : memref<512x64xf32, #tpu.memory_space<vmem>>[vector<16xi32>, vector<16xi32>], vector<16xf32>,
        %mul3A_313 = arith.mulf %gather3A_311, %gather3A_312 : vector<16xf32>
        %add3A_314 = arith.addf %add3A_304, %mul3A_313 : vector<16xf32>
        %add3A_315 = arith.constant 1 : i32
        %add3A_316 = vector.broadcast %add3A_315 : i32 to vector<16xi32>
        %add3A_317 = arith.addi %and3A_310, %add3A_316 : vector<16xi32>
        %and3A_318 = arith.constant 63 : i32
        %and3A_319 = vector.broadcast %and3A_318 : i32 to vector<16xi32>
        %and3A_320 = arith.andi %add3A_317, %and3A_319 : vector<16xi32>
        %gather3A_321 = tpu.vector_load_idx %arg13[%add3A_265, %and3A_320] : memref<512x64xf32, #tpu.memory_space<vmem>>[vector<16xi32>, vector<16xi32>], vector<16xf32>,
        %gather3A_322 = tpu.vector_load_idx %arg14[%add3A_265, %and3A_320] : memref<512x64xf32, #tpu.memory_space<vmem>>[vector<16xi32>, vector<16xi32>], vector<16xf32>,
        %mul3A_323 = arith.mulf %gather3A_321, %gather3A_322 : vector<16xf32>
        %add3A_324 = arith.addf %add3A_314, %mul3A_323 : vector<16xf32>
        %add3A_325 = arith.constant 1 : i32
        %add3A_326 = vector.broadcast %add3A_325 : i32 to vector<16xi32>
        %add3A_327 = arith.addi %and3A_320, %add3A_326 : vector<16xi32>
        %and3A_328 = arith.constant 63 : i32
        %and3A_329 = vector.broadcast %and3A_328 : i32 to vector<16xi32>
        %and3A_330 = arith.andi %add3A_327, %and3A_329 : vector<16xi32>
        %gather3A_331 = tpu.vector_load_idx %arg13[%add3A_265, %and3A_330] : memref<512x64xf32, #tpu.memory_space<vmem>>[vector<16xi32>, vector<16xi32>], vector<16xf32>,
        %gather3A_332 = tpu.vector_load_idx %arg14[%add3A_265, %and3A_330] : memref<512x64xf32, #tpu.memory_space<vmem>>[vector<16xi32>, vector<16xi32>], vector<16xf32>,
        %mul3A_333 = arith.mulf %gather3A_331, %gather3A_332 : vector<16xf32>
        %add3A_334 = arith.addf %add3A_324, %mul3A_333 : vector<16xf32>
        %add3A_335 = arith.constant 1 : i32
        %add3A_336 = vector.broadcast %add3A_335 : i32 to vector<16xi32>
        %add3A_337 = arith.addi %and3A_330, %add3A_336 : vector<16xi32>
        %and3A_338 = arith.constant 63 : i32
        %and3A_339 = vector.broadcast %and3A_338 : i32 to vector<16xi32>
        %and3A_340 = arith.andi %add3A_337, %and3A_339 : vector<16xi32>
        %gather3A_341 = tpu.vector_load_idx %arg13[%add3A_265, %and3A_340] : memref<512x64xf32, #tpu.memory_space<vmem>>[vector<16xi32>, vector<16xi32>], vector<16xf32>,
        %gather3A_342 = tpu.vector_load_idx %arg14[%add3A_265, %and3A_340] : memref<512x64xf32, #tpu.memory_space<vmem>>[vector<16xi32>, vector<16xi32>], vector<16xf32>,
        %mul3A_343 = arith.mulf %gather3A_341, %gather3A_342 : vector<16xf32>
        %add3A_344 = arith.addf %add3A_334, %mul3A_343 : vector<16xf32>
        %add3A_345 = arith.constant 1 : i32
        %add3A_346 = vector.broadcast %add3A_345 : i32 to vector<16xi32>
        %add3A_347 = arith.addi %and3A_340, %add3A_346 : vector<16xi32>
        %and3A_348 = arith.constant 63 : i32
        %and3A_349 = vector.broadcast %and3A_348 : i32 to vector<16xi32>
        %and3A_350 = arith.andi %add3A_347, %and3A_349 : vector<16xi32>
        %gather3A_351 = tpu.vector_load_idx %arg13[%add3A_265, %and3A_350] : memref<512x64xf32, #tpu.memory_space<vmem>>[vector<16xi32>, vector<16xi32>], vector<16xf32>,
        %gather3A_352 = tpu.vector_load_idx %arg14[%add3A_265, %and3A_350] : memref<512x64xf32, #tpu.memory_space<vmem>>[vector<16xi32>, vector<16xi32>], vector<16xf32>,
        %mul3A_353 = arith.mulf %gather3A_351, %gather3A_352 : vector<16xf32>
        %add3A_354 = arith.addf %add3A_344, %mul3A_353 : vector<16xf32>
        %add3A_355 = arith.constant 1 : i32
        %add3A_356 = vector.broadcast %add3A_355 : i32 to vector<16xi32>
        %add3A_357 = arith.addi %and3A_350, %add3A_356 : vector<16xi32>
        %and3A_358 = arith.constant 63 : i32
        %and3A_359 = vector.broadcast %and3A_358 : i32 to vector<16xi32>
        %and3A_360 = arith.andi %add3A_357, %and3A_359 : vector<16xi32>
        scf.yield %add3A_354, %and3A_360 : vector<16xf32>, vector<16xi32>
      }
      %scan3A_272 = arith.constant 8 : i32
      %add3A_273 = arith.constant 0 : i32
      %add3A_274 = arith.addi %add3A_273, %scan3A_259 : i32
      %mul3A_275 = arith.constant 16 : i32
      %mul3A_276 = arith.muli %add3A_274, %mul3A_275 : i32
      %multiple_of3A_277 = tpu.assume_multiple %mul3A_276, 16 : i32
      %swap3A = arith.index_cast %multiple_of3A_277 : i32 to index
      %swap3A_278 = tpu.vector_load %arg15[%swap3A] {strides = array<i32>} : memref<512xf32, #tpu.memory_space<vmem>>, vector<16xf32>,
      tpu.vector_store %arg15[%swap3A], %scan3A_271#0 {strides = array<i32>} : memref<512xf32, #tpu.memory_space<vmem>>, vector<16xf32>,
    }
    %scan3A_136 = arith.constant 8 : i32
    %add3A_137 = arith.constant 0 : i32
    %add3A_138 = arith.addi %multiple_of3A, %add3A_137 : i32
    %dma_start3A_139 = arith.constant 0 : i32
    %dma_start3A_140 = tpu.memref_slice %arg15[%dma_start3A_139] : memref<512xf32, #tpu.memory_space<vmem>> -> memref<128xf32, #tpu.memory_space<vmem>>
    %dma_start3A_141 = tpu.memref_slice %arg8[%add3A_138] : memref<16384xf32, #tpu.memory_space<hbm>> -> memref<128xf32, #tpu.memory_space<hbm>>
    %dma_start3A_142 = tpu.memref_slice %arg8[%add3A_138] : memref<16384xf32, #tpu.memory_space<hbm>> -> memref<128xf32, #tpu.memory_space<hbm>>
    %dma_start3A_143 = arith.constant 0 : i32
    %dma_start3A_144 = tpu.memref_slice %arg15[%dma_start3A_143] : memref<512xf32, #tpu.memory_space<vmem>> -> memref<128xf32, #tpu.memory_space<vmem>>
    tpu.enqueue_dma source(%dma_start3A_144 : memref<128xf32, #tpu.memory_space<vmem>>) target(%dma_start3A_142 : memref<128xf32, #tpu.memory_space<hbm>>) target_semaphore(%arg31 : memref<!tpu.dma_semaphore, #tpu.memory_space<semaphore_mem>>)
    %dma_wait3A_145 = arith.constant 128 : i32
    %dma_wait3A_146 = arith.constant 0 : i32
    %dma_wait3A_147 = tpu.memref_slice %arg13[%dma_wait3A_145, %dma_wait3A_146] : memref<512x64xf32, #tpu.memory_space<vmem>> -> memref<128x64xf32, #tpu.memory_space<vmem>>
    %dma_wait3A_148 = arith.constant 128 : i32
    %dma_wait3A_149 = tpu.memref_slice %arg9[%dma_wait3A_148] : memref<512xi32, #tpu.memory_space<vmem>> -> memref<128xi32, #tpu.memory_space<vmem>>
    %dma_wait3A_150 = arith.constant 0 : i32
    %dma_wait3A_151 = arith.constant 0 : i32
    %dma_wait3A_152 = tpu.memref_slice %arg16[%dma_wait3A_150, %dma_wait3A_151] : memref<1000x64xf32, #tpu.memory_space<vmem_shared>> -> memref<1000x64xf32, #tpu.memory_space<vmem_shared>>
    tpu.wait_indirect_dma semaphore(%arg24 : memref<!tpu.dma_semaphore, #tpu.memory_space<semaphore_mem>>) src(%dma_wait3A_152 : memref<1000x64xf32, #tpu.memory_space<vmem_shared>>) dst(%dma_wait3A_147 : memref<128x64xf32, #tpu.memory_space<vmem>>)
    %dma_wait3A_153 = arith.constant 128 : i32
    %dma_wait3A_154 = arith.constant 0 : i32
    %dma_wait3A_155 = tpu.memref_slice %arg14[%dma_wait3A_153, %dma_wait3A_154] : memref<512x64xf32, #tpu.memory_space<vmem>> -> memref<128x64xf32, #tpu.memory_space<vmem>>
    %dma_wait3A_156 = arith.constant 128 : i32
    %dma_wait3A_157 = tpu.memref_slice %arg10[%dma_wait3A_156] : memref<512xi32, #tpu.memory_space<vmem>> -> memref<128xi32, #tpu.memory_space<vmem>>
    %dma_wait3A_158 = arith.constant 0 : i32
    %dma_wait3A_159 = arith.constant 0 : i32
    %dma_wait3A_160 = tpu.memref_slice %arg17[%dma_wait3A_158, %dma_wait3A_159] : memref<1000x64xf32, #tpu.memory_space<vmem_shared>> -> memref<1000x64xf32, #tpu.memory_space<vmem_shared>>
    tpu.wait_indirect_dma semaphore(%arg25 : memref<!tpu.dma_semaphore, #tpu.memory_space<semaphore_mem>>) src(%dma_wait3A_160 : memref<1000x64xf32, #tpu.memory_space<vmem_shared>>) dst(%dma_wait3A_155 : memref<128x64xf32, #tpu.memory_space<vmem>>)
    %scan3A_161 = arith.constant 0 : i32
    %scan3A_162 = arith.constant 0 : i32
    %scan3A_163 = arith.constant 8 : i32
    %scan3A_164 = arith.addi %scan3A_162, %scan3A_163 : i32
    %scan3A_165 = arith.constant 1 : i32
    scf.for %scan3A_259 = %scan3A_162 to %scan3A_164 step %scan3A_165  : i32 {
      %add3A_260 = arith.constant 8 : i32
      %add3A_261 = arith.addi %add3A_260, %scan3A_259 : i32
      %mul3A_262 = arith.constant 16 : i32
      %mul3A_263 = arith.muli %add3A_261, %mul3A_262 : i32
      %add3A_264 = vector.broadcast %mul3A_263 : i32 to vector<16xi32>
      %add3A_265 = arith.addi %add3A_264, %iota3A : vector<16xi32>
      %broadcast_in_dim3A = arith.constant 0.000000e+00 : f32
      %broadcast_in_dim3A_266 = vector.broadcast %broadcast_in_dim3A : f32 to vector<16xf32>
      %scan3A_267 = arith.constant 0 : i32
      %scan3A_268 = arith.constant 8 : i32
      %scan3A_269 = arith.addi %scan3A_267, %scan3A_268 : i32
      %scan3A_270 = arith.constant 1 : i32
      %scan3A_271:2 = scf.for %scan3A_279 = %scan3A_267 to %scan3A_269 step %scan3A_270 iter_args(%scan3A_280 = %broadcast_in_dim3A_266, %scan3A_281 = %iota3A) -> (vector<16xf32>, vector<16xi32>)  : i32 {
        %gather3A = tpu.vector_load_idx %arg13[%add3A_265, %scan3A_281] : memref<512x64xf32, #tpu.memory_space<vmem>>[vector<16xi32>, vector<16xi32>], vector<16xf32>,
        %gather3A_282 = tpu.vector_load_idx %arg14[%add3A_265, %scan3A_281] : memref<512x64xf32, #tpu.memory_space<vmem>>[vector<16xi32>, vector<16xi32>], vector<16xf32>,
        %mul3A_283 = arith.mulf %gather3A, %gather3A_282 : vector<16xf32>
        %add3A_284 = arith.addf %scan3A_280, %mul3A_283 : vector<16xf32>
        %add3A_285 = arith.constant 1 : i32
        %add3A_286 = vector.broadcast %add3A_285 : i32 to vector<16xi32>
        %add3A_287 = arith.addi %scan3A_281, %add3A_286 : vector<16xi32>
        %and3A_288 = arith.constant 63 : i32
        %and3A_289 = vector.broadcast %and3A_288 : i32 to vector<16xi32>
        %and3A_290 = arith.andi %add3A_287, %and3A_289 : vector<16xi32>
        %gather3A_291 = tpu.vector_load_idx %arg13[%add3A_265, %and3A_290] : memref<512x64xf32, #tpu.memory_space<vmem>>[vector<16xi32>, vector<16xi32>], vector<16xf32>,
        %gather3A_292 = tpu.vector_load_idx %arg14[%add3A_265, %and3A_290] : memref<512x64xf32, #tpu.memory_space<vmem>>[vector<16xi32>, vector<16xi32>], vector<16xf32>,
        %mul3A_293 = arith.mulf %gather3A_291, %gather3A_292 : vector<16xf32>
        %add3A_294 = arith.addf %add3A_284, %mul3A_293 : vector<16xf32>
        %add3A_295 = arith.constant 1 : i32
        %add3A_296 = vector.broadcast %add3A_295 : i32 to vector<16xi32>
        %add3A_297 = arith.addi %and3A_290, %add3A_296 : vector<16xi32>
        %and3A_298 = arith.constant 63 : i32
        %and3A_299 = vector.broadcast %and3A_298 : i32 to vector<16xi32>
        %and3A_300 = arith.andi %add3A_297, %and3A_299 : vector<16xi32>
        %gather3A_301 = tpu.vector_load_idx %arg13[%add3A_265, %and3A_300] : memref<512x64xf32, #tpu.memory_space<vmem>>[vector<16xi32>, vector<16xi32>], vector<16xf32>,
        %gather3A_302 = tpu.vector_load_idx %arg14[%add3A_265, %and3A_300] : memref<512x64xf32, #tpu.memory_space<vmem>>[vector<16xi32>, vector<16xi32>], vector<16xf32>,
        %mul3A_303 = arith.mulf %gather3A_301, %gather3A_302 : vector<16xf32>
        %add3A_304 = arith.addf %add3A_294, %mul3A_303 : vector<16xf32>
        %add3A_305 = arith.constant 1 : i32
        %add3A_306 = vector.broadcast %add3A_305 : i32 to vector<16xi32>
        %add3A_307 = arith.addi %and3A_300, %add3A_306 : vector<16xi32>
        %and3A_308 = arith.constant 63 : i32
        %and3A_309 = vector.broadcast %and3A_308 : i32 to vector<16xi32>
        %and3A_310 = arith.andi %add3A_307, %and3A_309 : vector<16xi32>
        %gather3A_311 = tpu.vector_load_idx %arg13[%add3A_265, %and3A_310] : memref<512x64xf32, #tpu.memory_space<vmem>>[vector<16xi32>, vector<16xi32>], vector<16xf32>,
        %gather3A_312 = tpu.vector_load_idx %arg14[%add3A_265, %and3A_310] : memref<512x64xf32, #tpu.memory_space<vmem>>[vector<16xi32>, vector<16xi32>], vector<16xf32>,
        %mul3A_313 = arith.mulf %gather3A_311, %gather3A_312 : vector<16xf32>
        %add3A_314 = arith.addf %add3A_304, %mul3A_313 : vector<16xf32>
        %add3A_315 = arith.constant 1 : i32
        %add3A_316 = vector.broadcast %add3A_315 : i32 to vector<16xi32>
        %add3A_317 = arith.addi %and3A_310, %add3A_316 : vector<16xi32>
        %and3A_318 = arith.constant 63 : i32
        %and3A_319 = vector.broadcast %and3A_318 : i32 to vector<16xi32>
        %and3A_320 = arith.andi %add3A_317, %and3A_319 : vector<16xi32>
        %gather3A_321 = tpu.vector_load_idx %arg13[%add3A_265, %and3A_320] : memref<512x64xf32, #tpu.memory_space<vmem>>[vector<16xi32>, vector<16xi32>], vector<16xf32>,
        %gather3A_322 = tpu.vector_load_idx %arg14[%add3A_265, %and3A_320] : memref<512x64xf32, #tpu.memory_space<vmem>>[vector<16xi32>, vector<16xi32>], vector<16xf32>,
        %mul3A_323 = arith.mulf %gather3A_321, %gather3A_322 : vector<16xf32>
        %add3A_324 = arith.addf %add3A_314, %mul3A_323 : vector<16xf32>
        %add3A_325 = arith.constant 1 : i32
        %add3A_326 = vector.broadcast %add3A_325 : i32 to vector<16xi32>
        %add3A_327 = arith.addi %and3A_320, %add3A_326 : vector<16xi32>
        %and3A_328 = arith.constant 63 : i32
        %and3A_329 = vector.broadcast %and3A_328 : i32 to vector<16xi32>
        %and3A_330 = arith.andi %add3A_327, %and3A_329 : vector<16xi32>
        %gather3A_331 = tpu.vector_load_idx %arg13[%add3A_265, %and3A_330] : memref<512x64xf32, #tpu.memory_space<vmem>>[vector<16xi32>, vector<16xi32>], vector<16xf32>,
        %gather3A_332 = tpu.vector_load_idx %arg14[%add3A_265, %and3A_330] : memref<512x64xf32, #tpu.memory_space<vmem>>[vector<16xi32>, vector<16xi32>], vector<16xf32>,
        %mul3A_333 = arith.mulf %gather3A_331, %gather3A_332 : vector<16xf32>
        %add3A_334 = arith.addf %add3A_324, %mul3A_333 : vector<16xf32>
        %add3A_335 = arith.constant 1 : i32
        %add3A_336 = vector.broadcast %add3A_335 : i32 to vector<16xi32>
        %add3A_337 = arith.addi %and3A_330, %add3A_336 : vector<16xi32>
        %and3A_338 = arith.constant 63 : i32
        %and3A_339 = vector.broadcast %and3A_338 : i32 to vector<16xi32>
        %and3A_340 = arith.andi %add3A_337, %and3A_339 : vector<16xi32>
        %gather3A_341 = tpu.vector_load_idx %arg13[%add3A_265, %and3A_340] : memref<512x64xf32, #tpu.memory_space<vmem>>[vector<16xi32>, vector<16xi32>], vector<16xf32>,
        %gather3A_342 = tpu.vector_load_idx %arg14[%add3A_265, %and3A_340] : memref<512x64xf32, #tpu.memory_space<vmem>>[vector<16xi32>, vector<16xi32>], vector<16xf32>,
        %mul3A_343 = arith.mulf %gather3A_341, %gather3A_342 : vector<16xf32>
        %add3A_344 = arith.addf %add3A_334, %mul3A_343 : vector<16xf32>
        %add3A_345 = arith.constant 1 : i32
        %add3A_346 = vector.broadcast %add3A_345 : i32 to vector<16xi32>
        %add3A_347 = arith.addi %and3A_340, %add3A_346 : vector<16xi32>
        %and3A_348 = arith.constant 63 : i32
        %and3A_349 = vector.broadcast %and3A_348 : i32 to vector<16xi32>
        %and3A_350 = arith.andi %add3A_347, %and3A_349 : vector<16xi32>
        %gather3A_351 = tpu.vector_load_idx %arg13[%add3A_265, %and3A_350] : memref<512x64xf32, #tpu.memory_space<vmem>>[vector<16xi32>, vector<16xi32>], vector<16xf32>,
        %gather3A_352 = tpu.vector_load_idx %arg14[%add3A_265, %and3A_350] : memref<512x64xf32, #tpu.memory_space<vmem>>[vector<16xi32>, vector<16xi32>], vector<16xf32>,
        %mul3A_353 = arith.mulf %gather3A_351, %gather3A_352 : vector<16xf32>
        %add3A_354 = arith.addf %add3A_344, %mul3A_353 : vector<16xf32>
        %add3A_355 = arith.constant 1 : i32
        %add3A_356 = vector.broadcast %add3A_355 : i32 to vector<16xi32>
        %add3A_357 = arith.addi %and3A_350, %add3A_356 : vector<16xi32>
        %and3A_358 = arith.constant 63 : i32
        %and3A_359 = vector.broadcast %and3A_358 : i32 to vector<16xi32>
        %and3A_360 = arith.andi %add3A_357, %and3A_359 : vector<16xi32>
        scf.yield %add3A_354, %and3A_360 : vector<16xf32>, vector<16xi32>
      }
      %scan3A_272 = arith.constant 8 : i32
      %add3A_273 = arith.constant 8 : i32
      %add3A_274 = arith.addi %add3A_273, %scan3A_259 : i32
      %mul3A_275 = arith.constant 16 : i32
      %mul3A_276 = arith.muli %add3A_274, %mul3A_275 : i32
      %multiple_of3A_277 = tpu.assume_multiple %mul3A_276, 16 : i32
      %swap3A = arith.index_cast %multiple_of3A_277 : i32 to index
      %swap3A_278 = tpu.vector_load %arg15[%swap3A] {strides = array<i32>} : memref<512xf32, #tpu.memory_space<vmem>>, vector<16xf32>,
      tpu.vector_store %arg15[%swap3A], %scan3A_271#0 {strides = array<i32>} : memref<512xf32, #tpu.memory_space<vmem>>, vector<16xf32>,
    }
    %scan3A_166 = arith.constant 8 : i32
    %add3A_167 = arith.constant 128 : i32
    %add3A_168 = arith.addi %multiple_of3A, %add3A_167 : i32
    %dma_start3A_169 = arith.constant 128 : i32
    %dma_start3A_170 = tpu.memref_slice %arg15[%dma_start3A_169] : memref<512xf32, #tpu.memory_space<vmem>> -> memref<128xf32, #tpu.memory_space<vmem>>
    %dma_start3A_171 = tpu.memref_slice %arg8[%add3A_168] : memref<16384xf32, #tpu.memory_space<hbm>> -> memref<128xf32, #tpu.memory_space<hbm>>
    %dma_start3A_172 = tpu.memref_slice %arg8[%add3A_168] : memref<16384xf32, #tpu.memory_space<hbm>> -> memref<128xf32, #tpu.memory_space<hbm>>
    %dma_start3A_173 = arith.constant 128 : i32
    %dma_start3A_174 = tpu.memref_slice %arg15[%dma_start3A_173] : memref<512xf32, #tpu.memory_space<vmem>> -> memref<128xf32, #tpu.memory_space<vmem>>
    tpu.enqueue_dma source(%dma_start3A_174 : memref<128xf32, #tpu.memory_space<vmem>>) target(%dma_start3A_172 : memref<128xf32, #tpu.memory_space<hbm>>) target_semaphore(%arg32 : memref<!tpu.dma_semaphore, #tpu.memory_space<semaphore_mem>>)
    %dma_wait3A_175 = arith.constant 256 : i32
    %dma_wait3A_176 = arith.constant 0 : i32
    %dma_wait3A_177 = tpu.memref_slice %arg13[%dma_wait3A_175, %dma_wait3A_176] : memref<512x64xf32, #tpu.memory_space<vmem>> -> memref<128x64xf32, #tpu.memory_space<vmem>>
    %dma_wait3A_178 = arith.constant 256 : i32
    %dma_wait3A_179 = tpu.memref_slice %arg9[%dma_wait3A_178] : memref<512xi32, #tpu.memory_space<vmem>> -> memref<128xi32, #tpu.memory_space<vmem>>
    %dma_wait3A_180 = arith.constant 0 : i32
    %dma_wait3A_181 = arith.constant 0 : i32
    %dma_wait3A_182 = tpu.memref_slice %arg16[%dma_wait3A_180, %dma_wait3A_181] : memref<1000x64xf32, #tpu.memory_space<vmem_shared>> -> memref<1000x64xf32, #tpu.memory_space<vmem_shared>>
    tpu.wait_indirect_dma semaphore(%arg26 : memref<!tpu.dma_semaphore, #tpu.memory_space<semaphore_mem>>) src(%dma_wait3A_182 : memref<1000x64xf32, #tpu.memory_space<vmem_shared>>) dst(%dma_wait3A_177 : memref<128x64xf32, #tpu.memory_space<vmem>>)
    %dma_wait3A_183 = arith.constant 256 : i32
    %dma_wait3A_184 = arith.constant 0 : i32
    %dma_wait3A_185 = tpu.memref_slice %arg14[%dma_wait3A_183, %dma_wait3A_184] : memref<512x64xf32, #tpu.memory_space<vmem>> -> memref<128x64xf32, #tpu.memory_space<vmem>>
    %dma_wait3A_186 = arith.constant 256 : i32
    %dma_wait3A_187 = tpu.memref_slice %arg10[%dma_wait3A_186] : memref<512xi32, #tpu.memory_space<vmem>> -> memref<128xi32, #tpu.memory_space<vmem>>
    %dma_wait3A_188 = arith.constant 0 : i32
    %dma_wait3A_189 = arith.constant 0 : i32
    %dma_wait3A_190 = tpu.memref_slice %arg17[%dma_wait3A_188, %dma_wait3A_189] : memref<1000x64xf32, #tpu.memory_space<vmem_shared>> -> memref<1000x64xf32, #tpu.memory_space<vmem_shared>>
    tpu.wait_indirect_dma semaphore(%arg27 : memref<!tpu.dma_semaphore, #tpu.memory_space<semaphore_mem>>) src(%dma_wait3A_190 : memref<1000x64xf32, #tpu.memory_space<vmem_shared>>) dst(%dma_wait3A_185 : memref<128x64xf32, #tpu.memory_space<vmem>>)
    %scan3A_191 = arith.constant 0 : i32
    %scan3A_192 = arith.constant 0 : i32
    %scan3A_193 = arith.constant 8 : i32
    %scan3A_194 = arith.addi %scan3A_192, %scan3A_193 : i32
    %scan3A_195 = arith.constant 1 : i32
    scf.for %scan3A_259 = %scan3A_192 to %scan3A_194 step %scan3A_195  : i32 {
      %add3A_260 = arith.constant 16 : i32
      %add3A_261 = arith.addi %add3A_260, %scan3A_259 : i32
      %mul3A_262 = arith.constant 16 : i32
      %mul3A_263 = arith.muli %add3A_261, %mul3A_262 : i32
      %add3A_264 = vector.broadcast %mul3A_263 : i32 to vector<16xi32>
      %add3A_265 = arith.addi %add3A_264, %iota3A : vector<16xi32>
      %broadcast_in_dim3A = arith.constant 0.000000e+00 : f32
      %broadcast_in_dim3A_266 = vector.broadcast %broadcast_in_dim3A : f32 to vector<16xf32>
      %scan3A_267 = arith.constant 0 : i32
      %scan3A_268 = arith.constant 8 : i32
      %scan3A_269 = arith.addi %scan3A_267, %scan3A_268 : i32
      %scan3A_270 = arith.constant 1 : i32
      %scan3A_271:2 = scf.for %scan3A_279 = %scan3A_267 to %scan3A_269 step %scan3A_270 iter_args(%scan3A_280 = %broadcast_in_dim3A_266, %scan3A_281 = %iota3A) -> (vector<16xf32>, vector<16xi32>)  : i32 {
        %gather3A = tpu.vector_load_idx %arg13[%add3A_265, %scan3A_281] : memref<512x64xf32, #tpu.memory_space<vmem>>[vector<16xi32>, vector<16xi32>], vector<16xf32>,
        %gather3A_282 = tpu.vector_load_idx %arg14[%add3A_265, %scan3A_281] : memref<512x64xf32, #tpu.memory_space<vmem>>[vector<16xi32>, vector<16xi32>], vector<16xf32>,
        %mul3A_283 = arith.mulf %gather3A, %gather3A_282 : vector<16xf32>
        %add3A_284 = arith.addf %scan3A_280, %mul3A_283 : vector<16xf32>
        %add3A_285 = arith.constant 1 : i32
        %add3A_286 = vector.broadcast %add3A_285 : i32 to vector<16xi32>
        %add3A_287 = arith.addi %scan3A_281, %add3A_286 : vector<16xi32>
        %and3A_288 = arith.constant 63 : i32
        %and3A_289 = vector.broadcast %and3A_288 : i32 to vector<16xi32>
        %and3A_290 = arith.andi %add3A_287, %and3A_289 : vector<16xi32>
        %gather3A_291 = tpu.vector_load_idx %arg13[%add3A_265, %and3A_290] : memref<512x64xf32, #tpu.memory_space<vmem>>[vector<16xi32>, vector<16xi32>], vector<16xf32>,
        %gather3A_292 = tpu.vector_load_idx %arg14[%add3A_265, %and3A_290] : memref<512x64xf32, #tpu.memory_space<vmem>>[vector<16xi32>, vector<16xi32>], vector<16xf32>,
        %mul3A_293 = arith.mulf %gather3A_291, %gather3A_292 : vector<16xf32>
        %add3A_294 = arith.addf %add3A_284, %mul3A_293 : vector<16xf32>
        %add3A_295 = arith.constant 1 : i32
        %add3A_296 = vector.broadcast %add3A_295 : i32 to vector<16xi32>
        %add3A_297 = arith.addi %and3A_290, %add3A_296 : vector<16xi32>
        %and3A_298 = arith.constant 63 : i32
        %and3A_299 = vector.broadcast %and3A_298 : i32 to vector<16xi32>
        %and3A_300 = arith.andi %add3A_297, %and3A_299 : vector<16xi32>
        %gather3A_301 = tpu.vector_load_idx %arg13[%add3A_265, %and3A_300] : memref<512x64xf32, #tpu.memory_space<vmem>>[vector<16xi32>, vector<16xi32>], vector<16xf32>,
        %gather3A_302 = tpu.vector_load_idx %arg14[%add3A_265, %and3A_300] : memref<512x64xf32, #tpu.memory_space<vmem>>[vector<16xi32>, vector<16xi32>], vector<16xf32>,
        %mul3A_303 = arith.mulf %gather3A_301, %gather3A_302 : vector<16xf32>
        %add3A_304 = arith.addf %add3A_294, %mul3A_303 : vector<16xf32>
        %add3A_305 = arith.constant 1 : i32
        %add3A_306 = vector.broadcast %add3A_305 : i32 to vector<16xi32>
        %add3A_307 = arith.addi %and3A_300, %add3A_306 : vector<16xi32>
        %and3A_308 = arith.constant 63 : i32
        %and3A_309 = vector.broadcast %and3A_308 : i32 to vector<16xi32>
        %and3A_310 = arith.andi %add3A_307, %and3A_309 : vector<16xi32>
        %gather3A_311 = tpu.vector_load_idx %arg13[%add3A_265, %and3A_310] : memref<512x64xf32, #tpu.memory_space<vmem>>[vector<16xi32>, vector<16xi32>], vector<16xf32>,
        %gather3A_312 = tpu.vector_load_idx %arg14[%add3A_265, %and3A_310] : memref<512x64xf32, #tpu.memory_space<vmem>>[vector<16xi32>, vector<16xi32>], vector<16xf32>,
        %mul3A_313 = arith.mulf %gather3A_311, %gather3A_312 : vector<16xf32>
        %add3A_314 = arith.addf %add3A_304, %mul3A_313 : vector<16xf32>
        %add3A_315 = arith.constant 1 : i32
        %add3A_316 = vector.broadcast %add3A_315 : i32 to vector<16xi32>
        %add3A_317 = arith.addi %and3A_310, %add3A_316 : vector<16xi32>
        %and3A_318 = arith.constant 63 : i32
        %and3A_319 = vector.broadcast %and3A_318 : i32 to vector<16xi32>
        %and3A_320 = arith.andi %add3A_317, %and3A_319 : vector<16xi32>
        %gather3A_321 = tpu.vector_load_idx %arg13[%add3A_265, %and3A_320] : memref<512x64xf32, #tpu.memory_space<vmem>>[vector<16xi32>, vector<16xi32>], vector<16xf32>,
        %gather3A_322 = tpu.vector_load_idx %arg14[%add3A_265, %and3A_320] : memref<512x64xf32, #tpu.memory_space<vmem>>[vector<16xi32>, vector<16xi32>], vector<16xf32>,
        %mul3A_323 = arith.mulf %gather3A_321, %gather3A_322 : vector<16xf32>
        %add3A_324 = arith.addf %add3A_314, %mul3A_323 : vector<16xf32>
        %add3A_325 = arith.constant 1 : i32
        %add3A_326 = vector.broadcast %add3A_325 : i32 to vector<16xi32>
        %add3A_327 = arith.addi %and3A_320, %add3A_326 : vector<16xi32>
        %and3A_328 = arith.constant 63 : i32
        %and3A_329 = vector.broadcast %and3A_328 : i32 to vector<16xi32>
        %and3A_330 = arith.andi %add3A_327, %and3A_329 : vector<16xi32>
        %gather3A_331 = tpu.vector_load_idx %arg13[%add3A_265, %and3A_330] : memref<512x64xf32, #tpu.memory_space<vmem>>[vector<16xi32>, vector<16xi32>], vector<16xf32>,
        %gather3A_332 = tpu.vector_load_idx %arg14[%add3A_265, %and3A_330] : memref<512x64xf32, #tpu.memory_space<vmem>>[vector<16xi32>, vector<16xi32>], vector<16xf32>,
        %mul3A_333 = arith.mulf %gather3A_331, %gather3A_332 : vector<16xf32>
        %add3A_334 = arith.addf %add3A_324, %mul3A_333 : vector<16xf32>
        %add3A_335 = arith.constant 1 : i32
        %add3A_336 = vector.broadcast %add3A_335 : i32 to vector<16xi32>
        %add3A_337 = arith.addi %and3A_330, %add3A_336 : vector<16xi32>
        %and3A_338 = arith.constant 63 : i32
        %and3A_339 = vector.broadcast %and3A_338 : i32 to vector<16xi32>
        %and3A_340 = arith.andi %add3A_337, %and3A_339 : vector<16xi32>
        %gather3A_341 = tpu.vector_load_idx %arg13[%add3A_265, %and3A_340] : memref<512x64xf32, #tpu.memory_space<vmem>>[vector<16xi32>, vector<16xi32>], vector<16xf32>,
        %gather3A_342 = tpu.vector_load_idx %arg14[%add3A_265, %and3A_340] : memref<512x64xf32, #tpu.memory_space<vmem>>[vector<16xi32>, vector<16xi32>], vector<16xf32>,
        %mul3A_343 = arith.mulf %gather3A_341, %gather3A_342 : vector<16xf32>
        %add3A_344 = arith.addf %add3A_334, %mul3A_343 : vector<16xf32>
        %add3A_345 = arith.constant 1 : i32
        %add3A_346 = vector.broadcast %add3A_345 : i32 to vector<16xi32>
        %add3A_347 = arith.addi %and3A_340, %add3A_346 : vector<16xi32>
        %and3A_348 = arith.constant 63 : i32
        %and3A_349 = vector.broadcast %and3A_348 : i32 to vector<16xi32>
        %and3A_350 = arith.andi %add3A_347, %and3A_349 : vector<16xi32>
        %gather3A_351 = tpu.vector_load_idx %arg13[%add3A_265, %and3A_350] : memref<512x64xf32, #tpu.memory_space<vmem>>[vector<16xi32>, vector<16xi32>], vector<16xf32>,
        %gather3A_352 = tpu.vector_load_idx %arg14[%add3A_265, %and3A_350] : memref<512x64xf32, #tpu.memory_space<vmem>>[vector<16xi32>, vector<16xi32>], vector<16xf32>,
        %mul3A_353 = arith.mulf %gather3A_351, %gather3A_352 : vector<16xf32>
        %add3A_354 = arith.addf %add3A_344, %mul3A_353 : vector<16xf32>
        %add3A_355 = arith.constant 1 : i32
        %add3A_356 = vector.broadcast %add3A_355 : i32 to vector<16xi32>
        %add3A_357 = arith.addi %and3A_350, %add3A_356 : vector<16xi32>
        %and3A_358 = arith.constant 63 : i32
        %and3A_359 = vector.broadcast %and3A_358 : i32 to vector<16xi32>
        %and3A_360 = arith.andi %add3A_357, %and3A_359 : vector<16xi32>
        scf.yield %add3A_354, %and3A_360 : vector<16xf32>, vector<16xi32>
      }
      %scan3A_272 = arith.constant 8 : i32
      %add3A_273 = arith.constant 16 : i32
      %add3A_274 = arith.addi %add3A_273, %scan3A_259 : i32
      %mul3A_275 = arith.constant 16 : i32
      %mul3A_276 = arith.muli %add3A_274, %mul3A_275 : i32
      %multiple_of3A_277 = tpu.assume_multiple %mul3A_276, 16 : i32
      %swap3A = arith.index_cast %multiple_of3A_277 : i32 to index
      %swap3A_278 = tpu.vector_load %arg15[%swap3A] {strides = array<i32>} : memref<512xf32, #tpu.memory_space<vmem>>, vector<16xf32>,
      tpu.vector_store %arg15[%swap3A], %scan3A_271#0 {strides = array<i32>} : memref<512xf32, #tpu.memory_space<vmem>>, vector<16xf32>,
    }
    %scan3A_196 = arith.constant 8 : i32
    %add3A_197 = arith.constant 256 : i32
    %add3A_198 = arith.addi %multiple_of3A, %add3A_197 : i32
    %dma_start3A_199 = arith.constant 256 : i32
    %dma_start3A_200 = tpu.memref_slice %arg15[%dma_start3A_199] : memref<512xf32, #tpu.memory_space<vmem>> -> memref<128xf32, #tpu.memory_space<vmem>>
    %dma_start3A_201 = tpu.memref_slice %arg8[%add3A_198] : memref<16384xf32, #tpu.memory_space<hbm>> -> memref<128xf32, #tpu.memory_space<hbm>>
    %dma_start3A_202 = tpu.memref_slice %arg8[%add3A_198] : memref<16384xf32, #tpu.memory_space<hbm>> -> memref<128xf32, #tpu.memory_space<hbm>>
    %dma_start3A_203 = arith.constant 256 : i32
    %dma_start3A_204 = tpu.memref_slice %arg15[%dma_start3A_203] : memref<512xf32, #tpu.memory_space<vmem>> -> memref<128xf32, #tpu.memory_space<vmem>>
    tpu.enqueue_dma source(%dma_start3A_204 : memref<128xf32, #tpu.memory_space<vmem>>) target(%dma_start3A_202 : memref<128xf32, #tpu.memory_space<hbm>>) target_semaphore(%arg33 : memref<!tpu.dma_semaphore, #tpu.memory_space<semaphore_mem>>)
    %dma_wait3A_205 = arith.constant 384 : i32
    %dma_wait3A_206 = arith.constant 0 : i32
    %dma_wait3A_207 = tpu.memref_slice %arg13[%dma_wait3A_205, %dma_wait3A_206] : memref<512x64xf32, #tpu.memory_space<vmem>> -> memref<128x64xf32, #tpu.memory_space<vmem>>
    %dma_wait3A_208 = arith.constant 384 : i32
    %dma_wait3A_209 = tpu.memref_slice %arg9[%dma_wait3A_208] : memref<512xi32, #tpu.memory_space<vmem>> -> memref<128xi32, #tpu.memory_space<vmem>>
    %dma_wait3A_210 = arith.constant 0 : i32
    %dma_wait3A_211 = arith.constant 0 : i32
    %dma_wait3A_212 = tpu.memref_slice %arg16[%dma_wait3A_210, %dma_wait3A_211] : memref<1000x64xf32, #tpu.memory_space<vmem_shared>> -> memref<1000x64xf32, #tpu.memory_space<vmem_shared>>
    tpu.wait_indirect_dma semaphore(%arg28 : memref<!tpu.dma_semaphore, #tpu.memory_space<semaphore_mem>>) src(%dma_wait3A_212 : memref<1000x64xf32, #tpu.memory_space<vmem_shared>>) dst(%dma_wait3A_207 : memref<128x64xf32, #tpu.memory_space<vmem>>)
    %dma_wait3A_213 = arith.constant 384 : i32
    %dma_wait3A_214 = arith.constant 0 : i32
    %dma_wait3A_215 = tpu.memref_slice %arg14[%dma_wait3A_213, %dma_wait3A_214] : memref<512x64xf32, #tpu.memory_space<vmem>> -> memref<128x64xf32, #tpu.memory_space<vmem>>
    %dma_wait3A_216 = arith.constant 384 : i32
    %dma_wait3A_217 = tpu.memref_slice %arg10[%dma_wait3A_216] : memref<512xi32, #tpu.memory_space<vmem>> -> memref<128xi32, #tpu.memory_space<vmem>>
    %dma_wait3A_218 = arith.constant 0 : i32
    %dma_wait3A_219 = arith.constant 0 : i32
    %dma_wait3A_220 = tpu.memref_slice %arg17[%dma_wait3A_218, %dma_wait3A_219] : memref<1000x64xf32, #tpu.memory_space<vmem_shared>> -> memref<1000x64xf32, #tpu.memory_space<vmem_shared>>
    tpu.wait_indirect_dma semaphore(%arg29 : memref<!tpu.dma_semaphore, #tpu.memory_space<semaphore_mem>>) src(%dma_wait3A_220 : memref<1000x64xf32, #tpu.memory_space<vmem_shared>>) dst(%dma_wait3A_215 : memref<128x64xf32, #tpu.memory_space<vmem>>)
    %scan3A_221 = arith.constant 0 : i32
    %scan3A_222 = arith.constant 0 : i32
    %scan3A_223 = arith.constant 8 : i32
    %scan3A_224 = arith.addi %scan3A_222, %scan3A_223 : i32
    %scan3A_225 = arith.constant 1 : i32
    scf.for %scan3A_259 = %scan3A_222 to %scan3A_224 step %scan3A_225  : i32 {
      %add3A_260 = arith.constant 24 : i32
      %add3A_261 = arith.addi %add3A_260, %scan3A_259 : i32
      %mul3A_262 = arith.constant 16 : i32
      %mul3A_263 = arith.muli %add3A_261, %mul3A_262 : i32
      %add3A_264 = vector.broadcast %mul3A_263 : i32 to vector<16xi32>
      %add3A_265 = arith.addi %add3A_264, %iota3A : vector<16xi32>
      %broadcast_in_dim3A = arith.constant 0.000000e+00 : f32
      %broadcast_in_dim3A_266 = vector.broadcast %broadcast_in_dim3A : f32 to vector<16xf32>
      %scan3A_267 = arith.constant 0 : i32
      %scan3A_268 = arith.constant 8 : i32
      %scan3A_269 = arith.addi %scan3A_267, %scan3A_268 : i32
      %scan3A_270 = arith.constant 1 : i32
      %scan3A_271:2 = scf.for %scan3A_279 = %scan3A_267 to %scan3A_269 step %scan3A_270 iter_args(%scan3A_280 = %broadcast_in_dim3A_266, %scan3A_281 = %iota3A) -> (vector<16xf32>, vector<16xi32>)  : i32 {
        %gather3A = tpu.vector_load_idx %arg13[%add3A_265, %scan3A_281] : memref<512x64xf32, #tpu.memory_space<vmem>>[vector<16xi32>, vector<16xi32>], vector<16xf32>,
        %gather3A_282 = tpu.vector_load_idx %arg14[%add3A_265, %scan3A_281] : memref<512x64xf32, #tpu.memory_space<vmem>>[vector<16xi32>, vector<16xi32>], vector<16xf32>,
        %mul3A_283 = arith.mulf %gather3A, %gather3A_282 : vector<16xf32>
        %add3A_284 = arith.addf %scan3A_280, %mul3A_283 : vector<16xf32>
        %add3A_285 = arith.constant 1 : i32
        %add3A_286 = vector.broadcast %add3A_285 : i32 to vector<16xi32>
        %add3A_287 = arith.addi %scan3A_281, %add3A_286 : vector<16xi32>
        %and3A_288 = arith.constant 63 : i32
        %and3A_289 = vector.broadcast %and3A_288 : i32 to vector<16xi32>
        %and3A_290 = arith.andi %add3A_287, %and3A_289 : vector<16xi32>
        %gather3A_291 = tpu.vector_load_idx %arg13[%add3A_265, %and3A_290] : memref<512x64xf32, #tpu.memory_space<vmem>>[vector<16xi32>, vector<16xi32>], vector<16xf32>,
        %gather3A_292 = tpu.vector_load_idx %arg14[%add3A_265, %and3A_290] : memref<512x64xf32, #tpu.memory_space<vmem>>[vector<16xi32>, vector<16xi32>], vector<16xf32>,
        %mul3A_293 = arith.mulf %gather3A_291, %gather3A_292 : vector<16xf32>
        %add3A_294 = arith.addf %add3A_284, %mul3A_293 : vector<16xf32>
        %add3A_295 = arith.constant 1 : i32
        %add3A_296 = vector.broadcast %add3A_295 : i32 to vector<16xi32>
        %add3A_297 = arith.addi %and3A_290, %add3A_296 : vector<16xi32>
        %and3A_298 = arith.constant 63 : i32
        %and3A_299 = vector.broadcast %and3A_298 : i32 to vector<16xi32>
        %and3A_300 = arith.andi %add3A_297, %and3A_299 : vector<16xi32>
        %gather3A_301 = tpu.vector_load_idx %arg13[%add3A_265, %and3A_300] : memref<512x64xf32, #tpu.memory_space<vmem>>[vector<16xi32>, vector<16xi32>], vector<16xf32>,
        %gather3A_302 = tpu.vector_load_idx %arg14[%add3A_265, %and3A_300] : memref<512x64xf32, #tpu.memory_space<vmem>>[vector<16xi32>, vector<16xi32>], vector<16xf32>,
        %mul3A_303 = arith.mulf %gather3A_301, %gather3A_302 : vector<16xf32>
        %add3A_304 = arith.addf %add3A_294, %mul3A_303 : vector<16xf32>
        %add3A_305 = arith.constant 1 : i32
        %add3A_306 = vector.broadcast %add3A_305 : i32 to vector<16xi32>
        %add3A_307 = arith.addi %and3A_300, %add3A_306 : vector<16xi32>
        %and3A_308 = arith.constant 63 : i32
        %and3A_309 = vector.broadcast %and3A_308 : i32 to vector<16xi32>
        %and3A_310 = arith.andi %add3A_307, %and3A_309 : vector<16xi32>
        %gather3A_311 = tpu.vector_load_idx %arg13[%add3A_265, %and3A_310] : memref<512x64xf32, #tpu.memory_space<vmem>>[vector<16xi32>, vector<16xi32>], vector<16xf32>,
        %gather3A_312 = tpu.vector_load_idx %arg14[%add3A_265, %and3A_310] : memref<512x64xf32, #tpu.memory_space<vmem>>[vector<16xi32>, vector<16xi32>], vector<16xf32>,
        %mul3A_313 = arith.mulf %gather3A_311, %gather3A_312 : vector<16xf32>
        %add3A_314 = arith.addf %add3A_304, %mul3A_313 : vector<16xf32>
        %add3A_315 = arith.constant 1 : i32
        %add3A_316 = vector.broadcast %add3A_315 : i32 to vector<16xi32>
        %add3A_317 = arith.addi %and3A_310, %add3A_316 : vector<16xi32>
        %and3A_318 = arith.constant 63 : i32
        %and3A_319 = vector.broadcast %and3A_318 : i32 to vector<16xi32>
        %and3A_320 = arith.andi %add3A_317, %and3A_319 : vector<16xi32>
        %gather3A_321 = tpu.vector_load_idx %arg13[%add3A_265, %and3A_320] : memref<512x64xf32, #tpu.memory_space<vmem>>[vector<16xi32>, vector<16xi32>], vector<16xf32>,
        %gather3A_322 = tpu.vector_load_idx %arg14[%add3A_265, %and3A_320] : memref<512x64xf32, #tpu.memory_space<vmem>>[vector<16xi32>, vector<16xi32>], vector<16xf32>,
        %mul3A_323 = arith.mulf %gather3A_321, %gather3A_322 : vector<16xf32>
        %add3A_324 = arith.addf %add3A_314, %mul3A_323 : vector<16xf32>
        %add3A_325 = arith.constant 1 : i32
        %add3A_326 = vector.broadcast %add3A_325 : i32 to vector<16xi32>
        %add3A_327 = arith.addi %and3A_320, %add3A_326 : vector<16xi32>
        %and3A_328 = arith.constant 63 : i32
        %and3A_329 = vector.broadcast %and3A_328 : i32 to vector<16xi32>
        %and3A_330 = arith.andi %add3A_327, %and3A_329 : vector<16xi32>
        %gather3A_331 = tpu.vector_load_idx %arg13[%add3A_265, %and3A_330] : memref<512x64xf32, #tpu.memory_space<vmem>>[vector<16xi32>, vector<16xi32>], vector<16xf32>,
        %gather3A_332 = tpu.vector_load_idx %arg14[%add3A_265, %and3A_330] : memref<512x64xf32, #tpu.memory_space<vmem>>[vector<16xi32>, vector<16xi32>], vector<16xf32>,
        %mul3A_333 = arith.mulf %gather3A_331, %gather3A_332 : vector<16xf32>
        %add3A_334 = arith.addf %add3A_324, %mul3A_333 : vector<16xf32>
        %add3A_335 = arith.constant 1 : i32
        %add3A_336 = vector.broadcast %add3A_335 : i32 to vector<16xi32>
        %add3A_337 = arith.addi %and3A_330, %add3A_336 : vector<16xi32>
        %and3A_338 = arith.constant 63 : i32
        %and3A_339 = vector.broadcast %and3A_338 : i32 to vector<16xi32>
        %and3A_340 = arith.andi %add3A_337, %and3A_339 : vector<16xi32>
        %gather3A_341 = tpu.vector_load_idx %arg13[%add3A_265, %and3A_340] : memref<512x64xf32, #tpu.memory_space<vmem>>[vector<16xi32>, vector<16xi32>], vector<16xf32>,
        %gather3A_342 = tpu.vector_load_idx %arg14[%add3A_265, %and3A_340] : memref<512x64xf32, #tpu.memory_space<vmem>>[vector<16xi32>, vector<16xi32>], vector<16xf32>,
        %mul3A_343 = arith.mulf %gather3A_341, %gather3A_342 : vector<16xf32>
        %add3A_344 = arith.addf %add3A_334, %mul3A_343 : vector<16xf32>
        %add3A_345 = arith.constant 1 : i32
        %add3A_346 = vector.broadcast %add3A_345 : i32 to vector<16xi32>
        %add3A_347 = arith.addi %and3A_340, %add3A_346 : vector<16xi32>
        %and3A_348 = arith.constant 63 : i32
        %and3A_349 = vector.broadcast %and3A_348 : i32 to vector<16xi32>
        %and3A_350 = arith.andi %add3A_347, %and3A_349 : vector<16xi32>
        %gather3A_351 = tpu.vector_load_idx %arg13[%add3A_265, %and3A_350] : memref<512x64xf32, #tpu.memory_space<vmem>>[vector<16xi32>, vector<16xi32>], vector<16xf32>,
        %gather3A_352 = tpu.vector_load_idx %arg14[%add3A_265, %and3A_350] : memref<512x64xf32, #tpu.memory_space<vmem>>[vector<16xi32>, vector<16xi32>], vector<16xf32>,
        %mul3A_353 = arith.mulf %gather3A_351, %gather3A_352 : vector<16xf32>
        %add3A_354 = arith.addf %add3A_344, %mul3A_353 : vector<16xf32>
        %add3A_355 = arith.constant 1 : i32
        %add3A_356 = vector.broadcast %add3A_355 : i32 to vector<16xi32>
        %add3A_357 = arith.addi %and3A_350, %add3A_356 : vector<16xi32>
        %and3A_358 = arith.constant 63 : i32
        %and3A_359 = vector.broadcast %and3A_358 : i32 to vector<16xi32>
        %and3A_360 = arith.andi %add3A_357, %and3A_359 : vector<16xi32>
        scf.yield %add3A_354, %and3A_360 : vector<16xf32>, vector<16xi32>
      }
      %scan3A_272 = arith.constant 8 : i32
      %add3A_273 = arith.constant 24 : i32
      %add3A_274 = arith.addi %add3A_273, %scan3A_259 : i32
      %mul3A_275 = arith.constant 16 : i32
      %mul3A_276 = arith.muli %add3A_274, %mul3A_275 : i32
      %multiple_of3A_277 = tpu.assume_multiple %mul3A_276, 16 : i32
      %swap3A = arith.index_cast %multiple_of3A_277 : i32 to index
      %swap3A_278 = tpu.vector_load %arg15[%swap3A] {strides = array<i32>} : memref<512xf32, #tpu.memory_space<vmem>>, vector<16xf32>,
      tpu.vector_store %arg15[%swap3A], %scan3A_271#0 {strides = array<i32>} : memref<512xf32, #tpu.memory_space<vmem>>, vector<16xf32>,
    }
    %scan3A_226 = arith.constant 8 : i32
    %add3A_227 = arith.constant 384 : i32
    %add3A_228 = arith.addi %multiple_of3A, %add3A_227 : i32
    %dma_start3A_229 = arith.constant 384 : i32
    %dma_start3A_230 = tpu.memref_slice %arg15[%dma_start3A_229] : memref<512xf32, #tpu.memory_space<vmem>> -> memref<128xf32, #tpu.memory_space<vmem>>
    %dma_start3A_231 = tpu.memref_slice %arg8[%add3A_228] : memref<16384xf32, #tpu.memory_space<hbm>> -> memref<128xf32, #tpu.memory_space<hbm>>
    %dma_start3A_232 = tpu.memref_slice %arg8[%add3A_228] : memref<16384xf32, #tpu.memory_space<hbm>> -> memref<128xf32, #tpu.memory_space<hbm>>
    %dma_start3A_233 = arith.constant 384 : i32
    %dma_start3A_234 = tpu.memref_slice %arg15[%dma_start3A_233] : memref<512xf32, #tpu.memory_space<vmem>> -> memref<128xf32, #tpu.memory_space<vmem>>
    tpu.enqueue_dma source(%dma_start3A_234 : memref<128xf32, #tpu.memory_space<vmem>>) target(%dma_start3A_232 : memref<128xf32, #tpu.memory_space<hbm>>) target_semaphore(%arg34 : memref<!tpu.dma_semaphore, #tpu.memory_space<semaphore_mem>>)
    %dma_wait3A_235 = arith.constant 0 : i32
    %dma_wait3A_236 = tpu.memref_slice %arg15[%dma_wait3A_235] : memref<512xf32, #tpu.memory_space<vmem>> -> memref<128xf32, #tpu.memory_space<vmem>>
    %dma_wait3A_237 = tpu.memref_slice %arg8[%add3A_138] : memref<16384xf32, #tpu.memory_space<hbm>> -> memref<128xf32, #tpu.memory_space<hbm>>
    %dma_wait3A_238 = tpu.memref_slice %arg8[%add3A_138] : memref<16384xf32, #tpu.memory_space<hbm>> -> memref<128xf32, #tpu.memory_space<hbm>>
    %dma_wait3A_239 = arith.constant 0 : i32
    %dma_wait3A_240 = tpu.memref_slice %arg15[%dma_wait3A_239] : memref<512xf32, #tpu.memory_space<vmem>> -> memref<128xf32, #tpu.memory_space<vmem>>
    tpu.wait_dma2 semaphore(%arg31 : memref<!tpu.dma_semaphore, #tpu.memory_space<semaphore_mem>>) src(%dma_wait3A_240 : memref<128xf32, #tpu.memory_space<vmem>>) dst(%dma_wait3A_238 : memref<128xf32, #tpu.memory_space<hbm>>)
    %dma_wait3A_241 = arith.constant 128 : i32
    %dma_wait3A_242 = tpu.memref_slice %arg15[%dma_wait3A_241] : memref<512xf32, #tpu.memory_space<vmem>> -> memref<128xf32, #tpu.memory_space<vmem>>
    %dma_wait3A_243 = tpu.memref_slice %arg8[%add3A_168] : memref<16384xf32, #tpu.memory_space<hbm>> -> memref<128xf32, #tpu.memory_space<hbm>>
    %dma_wait3A_244 = tpu.memref_slice %arg8[%add3A_168] : memref<16384xf32, #tpu.memory_space<hbm>> -> memref<128xf32, #tpu.memory_space<hbm>>
    %dma_wait3A_245 = arith.constant 128 : i32
    %dma_wait3A_246 = tpu.memref_slice %arg15[%dma_wait3A_245] : memref<512xf32, #tpu.memory_space<vmem>> -> memref<128xf32, #tpu.memory_space<vmem>>
    tpu.wait_dma2 semaphore(%arg32 : memref<!tpu.dma_semaphore, #tpu.memory_space<semaphore_mem>>) src(%dma_wait3A_246 : memref<128xf32, #tpu.memory_space<vmem>>) dst(%dma_wait3A_244 : memref<128xf32, #tpu.memory_space<hbm>>)
    %dma_wait3A_247 = arith.constant 256 : i32
    %dma_wait3A_248 = tpu.memref_slice %arg15[%dma_wait3A_247] : memref<512xf32, #tpu.memory_space<vmem>> -> memref<128xf32, #tpu.memory_space<vmem>>
    %dma_wait3A_249 = tpu.memref_slice %arg8[%add3A_198] : memref<16384xf32, #tpu.memory_space<hbm>> -> memref<128xf32, #tpu.memory_space<hbm>>
    %dma_wait3A_250 = tpu.memref_slice %arg8[%add3A_198] : memref<16384xf32, #tpu.memory_space<hbm>> -> memref<128xf32, #tpu.memory_space<hbm>>
    %dma_wait3A_251 = arith.constant 256 : i32
    %dma_wait3A_252 = tpu.memref_slice %arg15[%dma_wait3A_251] : memref<512xf32, #tpu.memory_space<vmem>> -> memref<128xf32, #tpu.memory_space<vmem>>
    tpu.wait_dma2 semaphore(%arg33 : memref<!tpu.dma_semaphore, #tpu.memory_space<semaphore_mem>>) src(%dma_wait3A_252 : memref<128xf32, #tpu.memory_space<vmem>>) dst(%dma_wait3A_250 : memref<128xf32, #tpu.memory_space<hbm>>)
    %dma_wait3A_253 = arith.constant 384 : i32
    %dma_wait3A_254 = tpu.memref_slice %arg15[%dma_wait3A_253] : memref<512xf32, #tpu.memory_space<vmem>> -> memref<128xf32, #tpu.memory_space<vmem>>
    %dma_wait3A_255 = tpu.memref_slice %arg8[%add3A_228] : memref<16384xf32, #tpu.memory_space<hbm>> -> memref<128xf32, #tpu.memory_space<hbm>>
    %dma_wait3A_256 = tpu.memref_slice %arg8[%add3A_228] : memref<16384xf32, #tpu.memory_space<hbm>> -> memref<128xf32, #tpu.memory_space<hbm>>
    %dma_wait3A_257 = arith.constant 384 : i32
    %dma_wait3A_258 = tpu.memref_slice %arg15[%dma_wait3A_257] : memref<512xf32, #tpu.memory_space<vmem>> -> memref<128xf32, #tpu.memory_space<vmem>>
    tpu.wait_dma2 semaphore(%arg34 : memref<!tpu.dma_semaphore, #tpu.memory_space<semaphore_mem>>) src(%dma_wait3A_258 : memref<128xf32, #tpu.memory_space<vmem>>) dst(%dma_wait3A_256 : memref<128xf32, #tpu.memory_space<hbm>>)
    return
  }
}

</mosaic_0001>

<sc_bundles>
// kernel: _svd_dot.3.cloned.1.call-start
scs
__scs_entry_jumppad:
0x0: {  	(pc) =	sbr.rel $0x88, $3  }
0x1: {  	(tag) =	ssettag $0x0;
	lr =	simm.s32 $0x1  }
0x2: {  	[smem:$0x3F9B] =	sst lr;
	_ =	strace $0xD0000000  }
0x3: {  	_ = 	snop  }
0x4: {  	_ = 	snop  }
0x5: {  	_ = 	snop  }
0x6: {  	_ = 	snop  }
0x7: {  	_ = 	snop  }
__scs_overlays_trampoline_lowered:
0x8: {  	[smem:$0x3FAA] =	sst s0  }
0x9: {  	[smem:$0x3FAB] =	sst s1  }
0xa: {  	[smem:$0x3FAC] =	sst s2  }
0xb: {  	[smem:$0x3FAD] =	sst s3  }
0xc: {  	[smem:$0x3FAE] =	sst s4  }
0xd: {  	[smem:$0x3FAF] =	sst s5  }
0xe: {  	[smem:$0x3FB0] =	sst s6  }
0xf: {  	[smem:$0x3FB1] =	sst s7  }
0x10: {  	[smem:$0x3FB2] =	sst s8  }
0x11: {  	[smem:$0x3FB3] =	sst s9;
	s0 =	simm.s32 @!p0 $0x0  }
0x12: {  	s1 =	sld [smem:$0x3F99];
	s0 =	simm.s32 @p0 $0x1  }
0x13: {  	[smem:$0x3FB4] =	sst s0;
	s0 =	simm.s32 @!p1 $0x0  }
0x14: {  	s2 =	sld [smem:$0x3F98];
	s0 =	simm.s32 @p1 $0x1  }
0x15: {  	[smem:$0x3FB5] =	sst s0;
	s0 =	simm.s32 @!p2 $0x0  }
0x16: {  	s3 =	sld [smem:$0x3FDB];
	s0 =	simm.s32 @p2 $0x1  }
0x17: {  	s4 =	simm.s32 $0x1BF5;
	[smem:$0x3FB7] =	sst s0  }
0x18: {  	s0 =	sld [smem:$0x3F9A];
	_ =	swait.ge [sflag:s4], $0x0  }
0x19: {  	s7 =	sld [smem:$0x3F9B]  }
0x1a: {  	s8 =	sadd.s32 $0xFFFFE003, lr  }
0x1b: {  	s9 =	sadd.s32 $0xFFFFFEF7, lr;
	s5 =	simm.s32 $0xFFFFFFFF;
	p2 =	slt.u32 s8, $0xFFFFF086  }
0x1c: {  	p1 =	slt.u32 s9, $0xF7A;
	s5 =	simm.s32 @!p2 $0x0  }
0x1d: {  	s5 =	simm.s32 @p1 $0x1;
	p0 =	seq.s32 s7, s2  }
0x1e: {  	s7 =	smul.u32 @!p0 $0xF7A, s2;
	p2 =	seq.s32 @!p0 s5, $0x0  }
0x1f: {  	s9 =	smul.u32 $0xF7A, s1;
	s8 =	simm.s32 @!p0 $0x1BF5;
	p2 =	por !p2, p0  }
0x20: {  	[sflag:s8] =	ssyncset.s32 @!p0 $0xFFFFF086;
	s6 =	sadd.s32 @!p0 s3, s7;
	s7 =	simm.s32 @!p0 $0x108  }
0x21: {  	s3 =	sadd.s32 s3, s9;
	s6 =	sadd.s32 @!p0 $0x88, s6;
	s7 =	simm.s32 @p2 $0x1082  }
0x22: {  	[simem:s7], [sflag:s8] =	dma.local @!p0 [hbm:s6], $0xF7A  }
0x23: {  	s9 =	sor.u32 $0xD0000000, s2;
	s6 =	simm.s32 $0x108;
	_ =	swait.ge @!p0 [sflag:s8], $0x0  }
0x24: {  	s3 =	sadd.s32 $0x88, s3;
	s6 =	simm.s32 @!p1 $0x1082;
	[sflag:s4] =	ssyncset.s32 $0xFFFFF086  }
0x25: {  	[simem:s6], [sflag:s4] =	dma.local [hbm:s3], $0xF7A  }
0x26: {  	[smem:$0x3F9B] =	sst s1;
	(tag) =	ssettag s2;
	_ =	strace s9  }
0x27: {  	s1 =	sld [smem:$0x3FAB]  }
0x28: {  	s2 =	sld [smem:$0x3FAC]  }
0x29: {  	s4 =	sld [smem:$0x3FAE]  }
0x2a: {  	p0 =	seq.s32 s5, $0x0;
	s5 =	sld [smem:$0x3FAF]  }
0x2b: {  	s6 =	sld [smem:$0x3FB0]  }
0x2c: {  	s7 =	sld [smem:$0x3FB1]  }
0x2d: {  	s3 =	simm.s32 $0x108;
	s8 =	sld [smem:$0x3FB2]  }
0x2e: {  	s3 =	simm.s32 @!p0 $0x1082;
	s9 =	sld [smem:$0x3FB3]  }
0x2f: {  	lr =	sadd.s32 s0, s3;
	s0 =	sld [smem:$0x3FAA]  }
0x30: {  	s3 =	sld [smem:$0x3FAD]  }
0x31: {  	[smem:$0x3FB6] =	sst s10  }
0x32: {  	s10 =	sld [smem:$0x3FB4];
	_ =	sdelay $0x3  }
0x33: {  	p0 =	seq.s32 s10, $0x1;
	s10 =	sld [smem:$0x3FB6];
	_ =	sdelay $0x3  }
0x34: {  	[smem:$0x3FB6] =	sst s10  }
0x35: {  	s10 =	sld [smem:$0x3FB5];
	_ =	sdelay $0x3  }
0x36: {  	p1 =	seq.s32 s10, $0x1;
	s10 =	sld [smem:$0x3FB6];
	_ =	sdelay $0x3  }
0x37: {  	[smem:$0x3FB6] =	sst s10  }
0x38: {  	s10 =	sld [smem:$0x3FB7]  }
0x39: {  	_ = 	snop;
	(pc) =	sbr.ind lr, $3  }
0x3a: {  	_ = 	snop  }
0x3b: {  	_ = 	snop  }
0x3c: {  	p2 =	seq.s32 s10, $0x1;
	s10 =	sld [smem:$0x3FB6]  }
0x3d: {  	_ =	shalt  }
0x3e: {  	_ =	shalt  }
0x3f: {  	_ =	shalt  }
0x40: {  	_ =	shalt  }
0x41: {  	_ =	shalt  }
0x42: {  	_ =	shalt  }
0x43: {  	_ =	shalt  }
0x44: {  	_ =	shalt  }
0x45: {  	_ =	shalt  }
0x46: {  	_ =	shalt  }
0x47: {  	_ =	shalt  }
0x48: {  	_ =	shalt  }
0x49: {  	_ =	shalt  }
0x4a: {  	_ =	shalt  }
0x4b: {  	_ =	shalt  }
0x4c: {  	_ =	shalt  }
0x4d: {  	_ =	shalt  }
0x4e: {  	_ =	shalt  }
0x4f: {  	_ =	shalt  }
0x50: {  	_ =	shalt  }
0x51: {  	_ =	shalt  }
0x52: {  	_ =	shalt  }
0x53: {  	_ =	shalt  }
0x54: {  	_ =	shalt  }
0x55: {  	_ =	shalt  }
0x56: {  	_ =	shalt  }
0x57: {  	_ =	shalt  }
0x58: {  	_ =	shalt  }
0x59: {  	_ =	shalt  }
0x5a: {  	_ =	shalt  }
0x5b: {  	_ =	shalt  }
0x5c: {  	_ =	shalt  }
0x5d: {  	_ =	shalt  }
0x5e: {  	_ =	shalt  }
0x5f: {  	_ =	shalt  }
0x60: {  	_ =	shalt  }
0x61: {  	_ =	shalt  }
0x62: {  	_ =	shalt  }
0x63: {  	_ =	shalt  }
0x64: {  	_ =	shalt  }
0x65: {  	_ =	shalt  }
0x66: {  	_ =	shalt  }
0x67: {  	_ =	shalt  }
0x68: {  	_ =	shalt  }
0x69: {  	_ =	shalt  }
0x6a: {  	_ =	shalt  }
0x6b: {  	_ =	shalt  }
0x6c: {  	_ =	shalt  }
0x6d: {  	_ =	shalt  }
0x6e: {  	_ =	shalt  }
0x6f: {  	_ =	shalt  }
0x70: {  	_ =	shalt  }
0x71: {  	_ =	shalt  }
0x72: {  	_ =	shalt  }
0x73: {  	_ =	shalt  }
0x74: {  	_ =	shalt  }
0x75: {  	_ =	shalt  }
0x76: {  	_ =	shalt  }
0x77: {  	_ =	shalt  }
0x78: {  	_ =	shalt  }
0x79: {  	_ =	shalt  }
0x7a: {  	_ =	shalt  }
0x7b: {  	_ =	shalt  }
0x7c: {  	_ =	shalt  }
0x7d: {  	_ =	shalt  }
0x7e: {  	_ =	shalt  }
0x7f: {  	_ =	shalt  }
0x80: {  	_ =	shalt  }
0x81: {  	_ =	shalt  }
0x82: {  	_ =	shalt  }
0x83: {  	_ =	shalt  }
0x84: {  	_ =	shalt  }
0x85: {  	_ =	shalt  }
0x86: {  	_ =	shalt  }
0x87: {  	_ =	shalt  }
.Lfunc_end0:
.L_simem_size_0:
called_computation_lowered:
.L_overlay_start_0:
0x88: {  	s2 =	sld [smem:$0x3FD9]  }
0x89: {  	s3 =	sld [smem:$0x3FFE];
	_ =	sdelay $0x1  }
0x8a: {  	s1 =	srdreg.scid  }
0x8b: {  	s0 =	sand.u32 $0x1, s1  }
0x8c: {  	s17 =	sshll.u32 s0, $0xA;
	s2 =	sadd.s32 s3, s2  }
0x8d: {  	s2 =	sadd.s32 s2, s17  }
0x8e: {  	[smem:$0x3FC2] =	sst s2  }
0x8f: {  	_ = 	snop  }
0x90: {  	s2 =	sld [smem:$0x3FC9]  }
0x91: {  	s18 =	sld [smem:$0x3FC8]  }
0x92: {  	s4 =	sld [smem:$0x3FC5]  }
0x93: {  	s5 =	sld [smem:$0x3FC4]  }
0x94: {  	s6 =	sld [smem:$0x3FD0];
	(tm) =	ssettm $0x1  }
0x95: {  	s7 =	sld [smem:$0x3FFB];
	_ =	sdelay $0x3  }
0x96: {  	_ =	strace s7  }
0x97: {  	s7 =	sld [smem:$0x3FFC];
	_ =	sdelay $0x3  }
0x98: {  	_ =	strace s7  }
0x99: {  	s7 =	sld [smem:$0x3FFD];
	_ =	sdelay $0x3  }
0x9a: {  	_ =	strace s7  }
0x9b: {  	_ =	strace $0x8FFFFFFF  }
0x9c: {  	s19 =	sld [smem:$0x3FDB];
	_ =	sdelay $0x1  }
0x9d: {  	s8 =	simm.s32 $_scs_section_size  }
0x9e: {  	s9 =	simm.s32 $_size__tile_overlayer_lowered;
	s10 =	simm.s32 $_tile_overlayer_lowered  }
0x9f: {  	s22 =	simm.s32 $0x1BFF;
	s21 =	sshll.u32 s10, $0x1;
	s7 =	sadd.s32 s8, s19  }
0xa0: {  	s11 =	simm.s32 $0x0;
	s20 =	sshll.u32 s9, $0x1;
	s9 =	sadd.s32 s21, s7  }
0xa1: {  	[timem:s11], [sflag:s22] =	dma.local [hbm:s9], s20  }
0xa2: {  	_ =	swait.ge [sflag:s22], s20  }
0xa3: {  	s8 =	ssub.s32 $0x0, s20;
	[sflag:s22] =	ssyncset.done $0x0  }
0xa4: {  	[sflag:s22] =	ssyncadd.s32 s8;
	_ =	sdelay $0x1  }
0xa5: {  	s23 =	simm.s32 $0x1B8B  }
0xa6: {  	_ =	swait.ge [sflag:s23], $0x1  }
0xa7: {  	[sflag:s23] =	ssyncset.done $0x0  }
0xa8: {  	s25 =	simm.s32 $0x1B8E;
	s24 =	sld [smem:$0x3FFE];
	[sflag:s23] =	ssyncadd.s32 $0xFFFFFFFF  }
0xa9: {  	s26 =	simm.s32 $execute0_lowered;
	[smem:$0x3FD2] =	sst s25  }
0xaa: {  	s9 =	sshll.u32 s26, $0x1;
	_ =	strace $0x80000046;
	[dreg:$0x1] =	wrdreg $0xFFFFFFFF  }
0xab: {  	s28 =	simm.s32 $_size_execute0_lowered;
	s7 =	sadd.s32 s7, s9;
	[dreg:$0x0] =	wrdreg $0x0  }
0xac: {  	s9 =	sshll.u32 s28, $0x1;
	[dreg:$0x2] =	wrdreg s7  }
0xad: {  	[dreg:$0x3] =	wrdreg s9  }
0xae: {  	[dreg:$0x4] =	wrdreg $0xC0  }
0xaf: {  	_ =	task [dreg:s11], $0x5FFFF  }
0xb0: {  	[dreg:$0x1] =	wrdreg $0xFFFFFFFF  }
0xb1: {  	[dreg:$0x0] =	wrdreg $0x60  }
0xb2: {  	[dreg:$0x2] =	wrdreg s2  }
0xb3: {  	[dreg:$0x3] =	wrdreg s18  }
0xb4: {  	[dreg:$0x4] =	wrdreg s24  }
0xb5: {  	[dreg:$0x5] =	wrdreg s4  }
0xb6: {  	[dreg:$0x6] =	wrdreg s5  }
0xb7: {  	[dreg:$0x7] =	wrdreg s6  }
0xb8: {  	[dreg:$0x8] =	wrdreg $0x10DD00  }
0xb9: {  	[dreg:$0x9] =	wrdreg $0x11D700  }
0xba: {  	[dreg:$0xa] =	wrdreg $0x9  }
0xbb: {  	_ =	task.clear_ibuf [dreg:s11], $0xBFFFF;
	_ =	strace $0x90000046  }
0xbc: {  	s29 =	simm.s32 $0x9;
	_ =	strace $0x80000048  }
0xbd: {  	_ =	swait.ge [sflag:s29], $0x1  }
0xbe: {  	[sflag:s29] =	ssyncadd.s32 $0xFFFFFFFF  }
0xbf: {  	_ =	strace $0x90000048  }
0xc0: {  	_ =	sfence  }
0xc1: {  	s30 =	sld [smem:$0x0];
	_ =	sdelay $0x2  }
0xc2: {  	s31 =	sshll.u32 s1, $0xD;
	s1 =	sshrl.u32 s1, $0x2  }
0xc3: {  	s3 =	sand.u32 $0x4000, s31;
	s1 =	sadd.s32 s1, s30  }
0xc4: {  	s0 =	sor.u32 s3, s0;
	s1 =	sshll.u32 s1, $0x11  }
0xc5: {  	s0 =	sor.u32 s1, s0  }
0xc6: {  	s0 =	sadd.s32 $0x8F2B, s0  }
0xc7: {  	[sflag:s0] =	ssyncadd.remote.s32 $0x1  }
0xc8: {  	_ =	sfence.sel $0xFFFF  }
0xc9: {  	[dreg:$0x0] =	wrdreg $0xFFFFFFFF;
	(pc) =	sbr.abs _section_cstart, $3  }
0xca: {  	[dreg:$0x1] =	wrdreg $0xFFFFFFFF  }
0xcb: {  	_ =	task.clear_ibuf [dreg:s11], $0x2FFFF;
	_ =	strace $0x9FFFFFFF  }
0xcc: {  	(tm) =	ssettm $0x7FFFFFFF  }
0xcd: {  	_ =	shalt  }
tec
execute0_lowered:
.L_overlay_start_1:
0x0: {  	(tag) =	ssettag $0x1  }
0x1: {  	s0 =	rddreg [dreg:$0x0]  }
0x2: {  	s1 =	rddreg [dreg:$0x1]  }
0x3: {  	s2 =	rddreg [dreg:$0x2]  }
0x4: {  	s6 =	rddreg [dreg:$0x5]  }
0x5: {  	s3 =	rddreg [dreg:$0x6]  }
0x6: {  	s4 =	rddreg [dreg:$0x7];
	s5 =	simm.s32 $0x0  }
0x7: {  	s8 =	srdreg.scid;
	s12 =	stileid.u32;
	s17 =	simm.s32 $0x400  }
0x8: {  	s18 =	simm.s32 $0x7E8;
	s28 =	simm.s32 $0x8BD0;
	s29 =	simm.s32 $0x7  }
0x9: {  	s30 =	simm.s32 $0x8;
	s31 =	simm.s32 $0xB;
	s16 =	simm.s32 $0xF  }
0xa: {  	[smem:$0x7FF] =	sst s5;
	s7 =	sadd.s32 $0x600, s2;
	s2 =	sadd.s32 $0x2600, s2  }
0xb: {  	s8 =	sand.u32 $0x1, s8;
	s10 =	sshll.u32 s12, $0x7;
	s20 =	sand.u32 $0x7, s12  }
0xc: {  	p0 =	slt.u32 s12, $0x8;
	s26 =	sshll.u32 s12, $0x6;
	s12 =	simm.s32 $0x0  }
0xd: {  	_ =	strace $0x80000047;
	s9 =	ssub.s32 $0x2, s8;
	s8 =	sshll.u32 s8, $0x6  }
0xe: {  	s21 =	smul.u32 $0x1F40, s20;
	s2 =	smov.u32 @p0 s7;
	s20 =	simm.s32 $0xD  }
0xf: {  	s7 =	simm.s32 $0xC;
	s11 =	sshrl.u32 s9, $0x1;
	s8 =	sor.u32 s8, s10  }
0x10: {  	s10 =	simm.s32 $0x10;
	s11 =	ssub.s32 s9, s11;
	s0 =	sadd.s32 s0, s8  }
0x11: {  	s1 =	sadd.s32 s1, s8;
	s9 =	sadd.s32 s6, s8;
	[dreg:$0x9] =	wrdreg s0  }
0x12: {  	s22 =	sshrl.u32 s21, $0x3;
	[dreg:$0xa] =	wrdreg s1;
	s6 =	sadd.s32 $0x10, s9  }
0x13: {  	s8 =	simm.s32 $0xE;
	s23 =	sadd.s32 $0x20, s9;
	[dreg:$0xb] =	wrdreg s6  }
0x14: {  	s24 =	sadd.s32 $0x30, s9;
	s25 =	smax.u32 s11, $0x1;
	[dreg:$0xc] =	wrdreg s23  }
0x15: {  	s1 =	sadd.s32 s2, s22;
	s22 =	simm.s32 $0x2;
	[dreg:$0xd] =	wrdreg s24  }
0x16: {  	s2 =	simm.s32 $0xA;
	s11 =	simm.s32 $0x11;
	[dreg:$0xe] =	wrdreg s25  }
0x17: {  	s6 =	smov.u32 s4;
	[dreg:$0xf] =	wrdreg s1;
	s1 =	sor.u32 $0x1C0D, s26  }
0x18: {  	s23 =	simm.s32 $0x3;
	s24 =	simm.s32 $0x4;
	s25 =	simm.s32 $0x80  }
0x19: {  	s26 =	simm.s32 $0xBD0;
	s6 =	smov.u32 @p0 s3;
	[dreg:$0x10] =	wrdreg s1  }
0x1a: {  	s1 =	simm.s32 $0x6;
	s0 =	sadd.s32 s21, s6;
	s21 =	simm.s32 $0x1  }
0x1b: {  	s6 =	simm.s32 $0x5;
	s19 =	sshrl.u32 s0, $0x3;
	s0 =	simm.s32 $0x9  }
.LBB2_1:
0x1c: {  	s13 =	rddreg [dreg:$0x9]  }
0x1d: {  	s14 =	rddreg [dreg:$0xa]  }
0x1e: {  	[tilespmem:s5], [sflag:$0x1] =	stream.linear.gather [hbm4b:s13+s5], $0x200, $0x38;
	[tilespmem:$0x12D10] =	vst v63  }
0x1f: {  	s15 =	simm.s32 $0x200;
	s13 =	rddreg [dreg:$0xf]  }
0x20: {  	[tilespmem:s15], [sflag:$0x2] =	stream.linear.gather [hbm4b:s14+s5], $0x200, $0x38;
	[tilespmem:$0x12D10] =	vst v63  }
0x21: {  	s14 =	rddreg [dreg:$0x3]  }
0x22: {  	[tilespmem:s17], [sflag:$0x3] =	stream.linear.gather [hbm4b:s14+s5], $0x3E8, $0x38;
	[tilespmem:$0x12D10] =	vst v63  }
0x23: {  	s14 =	rddreg [dreg:$0x4]  }
0x24: {  	[tilespmem:s18], [sflag:$0x4] =	stream.linear.gather [hbm4b:s14+s5], $0x3E8, $0x38;
	[tilespmem:$0x12D10] =	vst v63  }
0x25: {  	s14 =	rddreg [dreg:$0x10]  }
0x26: {  	[spmem:s19], [sflag:s14] =	dma.local [hbm:s13], $0x3E8  }
0x27: {  	_ =	swait.ge [sflag:s20], $0x3E8  }
0x28: {  	[sflag:s20] =	ssyncset.done $0x0  }
0x29: {  	[sflag:s20] =	ssyncadd.s32 $0xFFFFFC18  }
0x2a: {  	_ =	swait.ge [sflag:s21], $0x200  }
0x2b: {  	[sflag:s21] =	ssyncset.done $0x0  }
0x2c: {  	[sflag:s21] =	ssyncadd.s32 $0xFFFFFE00  }
0x2d: {  	_ =	swait.ge [sflag:s22], $0x200  }
0x2e: {  	[sflag:s22] =	ssyncset.done $0x0  }
0x2f: {  	[sflag:s22] =	ssyncadd.s32 $0xFFFFFE00  }
0x30: {  	_ =	swait.ge [sflag:s23], $0x3E8  }
0x31: {  	[sflag:s23] =	ssyncset.done $0x0  }
0x32: {  	[sflag:s23] =	ssyncadd.s32 $0xFFFFFC18  }
0x33: {  	_ =	swait.ge [sflag:s24], $0x3E8  }
0x34: {  	[sflag:s24] =	ssyncset.done $0x0  }
0x35: {  	[sflag:s24] =	ssyncadd.s32 $0xFFFFFC18  }
0x36: {  	v0 =	vld [tilespmem:$0x0];
	_ =	sdelay $0x5  }
0x37: {  	v1 =	vld [tilespmem:$0x200];
	_ =	sdelay $0x1  }
0x38: {  	v0 =	vld.idx.msk [tilespmem:v0+s17+$0x0], $0xffff;
	_ =	sdelay $0x3  }
0x39: {  	v2 =	vld [tilespmem:$0x10]  }
0x3a: {  	[tilespmem:$0x0] =	vst v0  }
0x3b: {  	v0 =	vld.idx.msk [tilespmem:v1+s18+$0x0], $0xffff;
	_ =	sdelay $0x3  }
0x3c: {  	v63 =	vld [tilespmem:$0x210]  }
0x3d: {  	[tilespmem:$0x200] =	vst v0  }
0x3e: {  	v0 =	vld.idx.msk [tilespmem:v2+s17+$0x0], $0xffff;
	_ =	sdelay $0x3  }
0x3f: {  	v4 =	vld [tilespmem:$0x20]  }
0x40: {  	[tilespmem:$0x10] =	vst v0  }
0x41: {  	v0 =	vld.idx.msk [tilespmem:v63+s18+$0x0], $0xffff;
	_ =	sdelay $0x3  }
0x42: {  	v5 =	vld [tilespmem:$0x220]  }
0x43: {  	[tilespmem:$0x210] =	vst v0  }
0x44: {  	v0 =	vld.idx.msk [tilespmem:v4+s17+$0x0], $0xffff;
	_ =	sdelay $0x3  }
0x45: {  	v6 =	vld [tilespmem:$0x30]  }
0x46: {  	[tilespmem:$0x20] =	vst v0  }
0x47: {  	v0 =	vld.idx.msk [tilespmem:v5+s18+$0x0], $0xffff;
	_ =	sdelay $0x3  }
0x48: {  	v7 =	vld [tilespmem:$0x230]  }
0x49: {  	[tilespmem:$0x220] =	vst v0  }
0x4a: {  	v0 =	vld.idx.msk [tilespmem:v6+s17+$0x0], $0xffff;
	_ =	sdelay $0x3  }
0x4b: {  	v8 =	vld [tilespmem:$0x40]  }
0x4c: {  	[tilespmem:$0x30] =	vst v0  }
0x4d: {  	v0 =	vld.idx.msk [tilespmem:v7+s18+$0x0], $0xffff;
	_ =	sdelay $0x3  }
0x4e: {  	v9 =	vld [tilespmem:$0x240]  }
0x4f: {  	[tilespmem:$0x230] =	vst v0  }
0x50: {  	v0 =	vld.idx.msk [tilespmem:v8+s17+$0x0], $0xffff;
	_ =	sdelay $0x3  }
0x51: {  	v10 =	vld [tilespmem:$0x50]  }
0x52: {  	[tilespmem:$0x40] =	vst v0  }
0x53: {  	v0 =	vld.idx.msk [tilespmem:v9+s18+$0x0], $0xffff;
	_ =	sdelay $0x3  }
0x54: {  	v11 =	vld [tilespmem:$0x250]  }
0x55: {  	[tilespmem:$0x240] =	vst v0  }
0x56: {  	v0 =	vld.idx.msk [tilespmem:v10+s17+$0x0], $0xffff;
	_ =	sdelay $0x3  }
0x57: {  	v12 =	vld [tilespmem:$0x60]  }
0x58: {  	[tilespmem:$0x50] =	vst v0  }
0x59: {  	v0 =	vld.idx.msk [tilespmem:v11+s18+$0x0], $0xffff;
	_ =	sdelay $0x3  }
0x5a: {  	v13 =	vld [tilespmem:$0x260]  }
0x5b: {  	[tilespmem:$0x250] =	vst v0  }
0x5c: {  	v0 =	vld.idx.msk [tilespmem:v12+s17+$0x0], $0xffff;
	_ =	sdelay $0x3  }
0x5d: {  	v14 =	vld [tilespmem:$0x70]  }
0x5e: {  	[tilespmem:$0x60] =	vst v0  }
0x5f: {  	v0 =	vld.idx.msk [tilespmem:v13+s18+$0x0], $0xffff;
	_ =	sdelay $0x3  }
0x60: {  	v15 =	vld [tilespmem:$0x270]  }
0x61: {  	[tilespmem:$0x260] =	vst v0  }
0x62: {  	v0 =	vld.idx.msk [tilespmem:v14+s17+$0x0], $0xffff;
	_ =	sdelay $0x4  }
0x63: {  	[tilespmem:$0x70] =	vst v0  }
0x64: {  	v0 =	vld.idx.msk [tilespmem:v15+s18+$0x0], $0xffff;
	_ =	sdelay $0x4  }
0x65: {  	[tilespmem:$0x270] =	vst v0  }
0x66: {  	[bflag:$0x0] =	sbarrier.arrive $0xFFFF  }
0x67: {  	[tilespmem:s26], [sflag:$0x5] =	stream.indirect.gather [spmem:s3], $0x40, s5, s25, $0xb8;
	[tilespmem:$0x12D10] =	vst v63  }
0x68: {  	_ = 	snop  }
0x69: {  	[tilespmem:s28], [sflag:$0x6] =	stream.indirect.gather [spmem:s4], $0x40, s15, s25, $0xb8;
	[tilespmem:$0x12D10] =	vst v63  }
0x6a: {  	v16 =	vld [tilespmem:$0x80];
	_ =	sdelay $0x5  }
0x6b: {  	v17 =	vld [tilespmem:$0x280];
	_ =	sdelay $0x1  }
0x6c: {  	v0 =	vld.idx.msk [tilespmem:v16+s17+$0x0], $0xffff;
	_ =	sdelay $0x3  }
0x6d: {  	v18 =	vld [tilespmem:$0x90]  }
0x6e: {  	[tilespmem:$0x80] =	vst v0  }
0x6f: {  	v0 =	vld.idx.msk [tilespmem:v17+s18+$0x0], $0xffff;
	_ =	sdelay $0x3  }
0x70: {  	v19 =	vld [tilespmem:$0x290]  }
0x71: {  	[tilespmem:$0x280] =	vst v0  }
0x72: {  	v0 =	vld.idx.msk [tilespmem:v18+s17+$0x0], $0xffff;
	_ =	sdelay $0x3  }
0x73: {  	v20 =	vld [tilespmem:$0xA0]  }
0x74: {  	[tilespmem:$0x90] =	vst v0  }
0x75: {  	v0 =	vld.idx.msk [tilespmem:v19+s18+$0x0], $0xffff;
	_ =	sdelay $0x3  }
0x76: {  	v21 =	vld [tilespmem:$0x2A0]  }
0x77: {  	[tilespmem:$0x290] =	vst v0  }
0x78: {  	v0 =	vld.idx.msk [tilespmem:v20+s17+$0x0], $0xffff;
	_ =	sdelay $0x3  }
0x79: {  	v22 =	vld [tilespmem:$0xB0]  }
0x7a: {  	[tilespmem:$0xA0] =	vst v0  }
0x7b: {  	v0 =	vld.idx.msk [tilespmem:v21+s18+$0x0], $0xffff;
	_ =	sdelay $0x3  }
0x7c: {  	v23 =	vld [tilespmem:$0x2B0]  }
0x7d: {  	[tilespmem:$0x2A0] =	vst v0  }
0x7e: {  	v0 =	vld.idx.msk [tilespmem:v22+s17+$0x0], $0xffff;
	_ =	sdelay $0x3  }
0x7f: {  	v24 =	vld [tilespmem:$0xC0]  }
0x80: {  	[tilespmem:$0xB0] =	vst v0  }
0x81: {  	v0 =	vld.idx.msk [tilespmem:v23+s18+$0x0], $0xffff;
	_ =	sdelay $0x3  }
0x82: {  	v25 =	vld [tilespmem:$0x2C0]  }
0x83: {  	[tilespmem:$0x2B0] =	vst v0  }
0x84: {  	v0 =	vld.idx.msk [tilespmem:v24+s17+$0x0], $0xffff;
	_ =	sdelay $0x3  }
0x85: {  	v26 =	vld [tilespmem:$0xD0]  }
0x86: {  	[tilespmem:$0xC0] =	vst v0  }
0x87: {  	v0 =	vld.idx.msk [tilespmem:v25+s18+$0x0], $0xffff;
	_ =	sdelay $0x3  }
0x88: {  	v27 =	vld [tilespmem:$0x2D0]  }
0x89: {  	[tilespmem:$0x2C0] =	vst v0  }
0x8a: {  	v0 =	vld.idx.msk [tilespmem:v26+s17+$0x0], $0xffff;
	_ =	sdelay $0x3  }
0x8b: {  	v28 =	vld [tilespmem:$0xE0]  }
0x8c: {  	[tilespmem:$0xD0] =	vst v0  }
0x8d: {  	v0 =	vld.idx.msk [tilespmem:v27+s18+$0x0], $0xffff;
	_ =	sdelay $0x3  }
0x8e: {  	v29 =	vld [tilespmem:$0x2E0]  }
0x8f: {  	[tilespmem:$0x2D0] =	vst v0  }
0x90: {  	v0 =	vld.idx.msk [tilespmem:v28+s17+$0x0], $0xffff;
	_ =	sdelay $0x3  }
0x91: {  	v30 =	vld [tilespmem:$0xF0]  }
0x92: {  	[tilespmem:$0xE0] =	vst v0  }
0x93: {  	v0 =	vld.idx.msk [tilespmem:v29+s18+$0x0], $0xffff;
	_ =	sdelay $0x3  }
0x94: {  	v31 =	vld [tilespmem:$0x2F0]  }
0x95: {  	[tilespmem:$0x2E0] =	vst v0  }
0x96: {  	v0 =	vld.idx.msk [tilespmem:v30+s17+$0x0], $0xffff;
	_ =	sdelay $0x4  }
0x97: {  	[tilespmem:$0xF0] =	vst v0  }
0x98: {  	v0 =	vld.idx.msk [tilespmem:v31+s18+$0x0], $0xffff;
	_ =	sdelay $0x4  }
0x99: {  	s15 =	simm.s32 $0x2BD0;
	[tilespmem:$0x2F0] =	vst v0  }
0x9a: {  	[tilespmem:s15], [sflag:$0x7] =	stream.indirect.gather [spmem:s3], $0x40, s25, s25, $0xb8;
	[tilespmem:$0x12D10] =	vst v63  }
0x9b: {  	s14 =	simm.s32 $0x280;
	s15 =	simm.s32 $0xABD0  }
0x9c: {  	[tilespmem:s15], [sflag:$0x8] =	stream.indirect.gather [spmem:s4], $0x40, s14, s25, $0xb8;
	[tilespmem:$0x12D10] =	vst v63  }
0x9d: {  	v32 =	vld [tilespmem:$0x100];
	_ =	sdelay $0x5  }
0x9e: {  	v33 =	vld [tilespmem:$0x300];
	_ =	sdelay $0x1  }
0x9f: {  	v0 =	vld.idx.msk [tilespmem:v32+s17+$0x0], $0xffff;
	_ =	sdelay $0x3  }
0xa0: {  	v34 =	vld [tilespmem:$0x110]  }
0xa1: {  	[tilespmem:$0x100] =	vst v0  }
0xa2: {  	v0 =	vld.idx.msk [tilespmem:v33+s18+$0x0], $0xffff;
	_ =	sdelay $0x3  }
0xa3: {  	v35 =	vld [tilespmem:$0x310]  }
0xa4: {  	[tilespmem:$0x300] =	vst v0  }
0xa5: {  	v0 =	vld.idx.msk [tilespmem:v34+s17+$0x0], $0xffff;
	_ =	sdelay $0x3  }
0xa6: {  	v36 =	vld [tilespmem:$0x120]  }
0xa7: {  	[tilespmem:$0x110] =	vst v0  }
0xa8: {  	v0 =	vld.idx.msk [tilespmem:v35+s18+$0x0], $0xffff;
	_ =	sdelay $0x3  }
0xa9: {  	v37 =	vld [tilespmem:$0x320]  }
0xaa: {  	[tilespmem:$0x310] =	vst v0  }
0xab: {  	v0 =	vld.idx.msk [tilespmem:v36+s17+$0x0], $0xffff;
	_ =	sdelay $0x3  }
0xac: {  	v38 =	vld [tilespmem:$0x130]  }
0xad: {  	[tilespmem:$0x120] =	vst v0  }
0xae: {  	v0 =	vld.idx.msk [tilespmem:v37+s18+$0x0], $0xffff;
	_ =	sdelay $0x3  }
0xaf: {  	v39 =	vld [tilespmem:$0x330]  }
0xb0: {  	[tilespmem:$0x320] =	vst v0  }
0xb1: {  	v0 =	vld.idx.msk [tilespmem:v38+s17+$0x0], $0xffff;
	_ =	sdelay $0x3  }
0xb2: {  	v40 =	vld [tilespmem:$0x140]  }
0xb3: {  	[tilespmem:$0x130] =	vst v0  }
0xb4: {  	v0 =	vld.idx.msk [tilespmem:v39+s18+$0x0], $0xffff;
	_ =	sdelay $0x3  }
0xb5: {  	v41 =	vld [tilespmem:$0x340]  }
0xb6: {  	[tilespmem:$0x330] =	vst v0  }
0xb7: {  	v0 =	vld.idx.msk [tilespmem:v40+s17+$0x0], $0xffff;
	_ =	sdelay $0x3  }
0xb8: {  	v42 =	vld [tilespmem:$0x150]  }
0xb9: {  	[tilespmem:$0x140] =	vst v0  }
0xba: {  	v0 =	vld.idx.msk [tilespmem:v41+s18+$0x0], $0xffff;
	_ =	sdelay $0x3  }
0xbb: {  	v43 =	vld [tilespmem:$0x350]  }
0xbc: {  	[tilespmem:$0x340] =	vst v0  }
0xbd: {  	v0 =	vld.idx.msk [tilespmem:v42+s17+$0x0], $0xffff;
	_ =	sdelay $0x3  }
0xbe: {  	v44 =	vld [tilespmem:$0x160]  }
0xbf: {  	[tilespmem:$0x150] =	vst v0  }
0xc0: {  	v0 =	vld.idx.msk [tilespmem:v43+s18+$0x0], $0xffff;
	_ =	sdelay $0x3  }
0xc1: {  	v45 =	vld [tilespmem:$0x360]  }
0xc2: {  	[tilespmem:$0x350] =	vst v0  }
0xc3: {  	v0 =	vld.idx.msk [tilespmem:v44+s17+$0x0], $0xffff;
	_ =	sdelay $0x3  }
0xc4: {  	v46 =	vld [tilespmem:$0x170]  }
0xc5: {  	[tilespmem:$0x160] =	vst v0  }
0xc6: {  	v0 =	vld.idx.msk [tilespmem:v45+s18+$0x0], $0xffff;
	_ =	sdelay $0x3  }
0xc7: {  	v47 =	vld [tilespmem:$0x370]  }
0xc8: {  	[tilespmem:$0x360] =	vst v0  }
0xc9: {  	v0 =	vld.idx.msk [tilespmem:v46+s17+$0x0], $0xffff;
	_ =	sdelay $0x4  }
0xca: {  	[tilespmem:$0x170] =	vst v0  }
0xcb: {  	v0 =	vld.idx.msk [tilespmem:v47+s18+$0x0], $0xffff;
	_ =	sdelay $0x4  }
0xcc: {  	s14 =	simm.s32 $0x100;
	s15 =	simm.s32 $0x4BD0;
	[tilespmem:$0x370] =	vst v0  }
0xcd: {  	[tilespmem:s15], [sflag:$0x9] =	stream.indirect.gather [spmem:s3], $0x40, s14, s25, $0xb8;
	[tilespmem:$0x12D10] =	vst v63  }
0xce: {  	s14 =	simm.s32 $0x300;
	s15 =	simm.s32 $0xCBD0  }
0xcf: {  	[tilespmem:s15], [sflag:$0xA] =	stream.indirect.gather [spmem:s4], $0x40, s14, s25, $0xb8;
	[tilespmem:$0x12D10] =	vst v63  }
0xd0: {  	v48 =	vld [tilespmem:$0x180];
	_ =	sdelay $0x5  }
0xd1: {  	v49 =	vld [tilespmem:$0x380];
	_ =	sdelay $0x1  }
0xd2: {  	v0 =	vld.idx.msk [tilespmem:v48+s17+$0x0], $0xffff;
	_ =	sdelay $0x3  }
0xd3: {  	v50 =	vld [tilespmem:$0x190]  }
0xd4: {  	[tilespmem:$0x180] =	vst v0  }
0xd5: {  	v0 =	vld.idx.msk [tilespmem:v49+s18+$0x0], $0xffff;
	_ =	sdelay $0x3  }
0xd6: {  	v51 =	vld [tilespmem:$0x390]  }
0xd7: {  	[tilespmem:$0x380] =	vst v0  }
0xd8: {  	v0 =	vld.idx.msk [tilespmem:v50+s17+$0x0], $0xffff;
	_ =	sdelay $0x3  }
0xd9: {  	v52 =	vld [tilespmem:$0x1A0]  }
0xda: {  	[tilespmem:$0x190] =	vst v0  }
0xdb: {  	v0 =	vld.idx.msk [tilespmem:v51+s18+$0x0], $0xffff;
	_ =	sdelay $0x3  }
0xdc: {  	v53 =	vld [tilespmem:$0x3A0]  }
0xdd: {  	[tilespmem:$0x390] =	vst v0  }
0xde: {  	v0 =	vld.idx.msk [tilespmem:v52+s17+$0x0], $0xffff;
	_ =	sdelay $0x3  }
0xdf: {  	v54 =	vld [tilespmem:$0x1B0]  }
0xe0: {  	[tilespmem:$0x1A0] =	vst v0  }
0xe1: {  	v0 =	vld.idx.msk [tilespmem:v53+s18+$0x0], $0xffff;
	_ =	sdelay $0x3  }
0xe2: {  	v55 =	vld [tilespmem:$0x3B0]  }
0xe3: {  	[tilespmem:$0x3A0] =	vst v0  }
0xe4: {  	v0 =	vld.idx.msk [tilespmem:v54+s17+$0x0], $0xffff;
	_ =	sdelay $0x3  }
0xe5: {  	v56 =	vld [tilespmem:$0x1C0]  }
0xe6: {  	[tilespmem:$0x1B0] =	vst v0  }
0xe7: {  	v0 =	vld.idx.msk [tilespmem:v55+s18+$0x0], $0xffff;
	_ =	sdelay $0x3  }
0xe8: {  	v57 =	vld [tilespmem:$0x3C0]  }
0xe9: {  	[tilespmem:$0x3B0] =	vst v0  }
0xea: {  	v0 =	vld.idx.msk [tilespmem:v56+s17+$0x0], $0xffff;
	_ =	sdelay $0x3  }
0xeb: {  	v58 =	vld [tilespmem:$0x1D0]  }
0xec: {  	[tilespmem:$0x1C0] =	vst v0  }
0xed: {  	v0 =	vld.idx.msk [tilespmem:v57+s18+$0x0], $0xffff;
	_ =	sdelay $0x3  }
0xee: {  	v59 =	vld [tilespmem:$0x3D0]  }
0xef: {  	[tilespmem:$0x3C0] =	vst v0  }
0xf0: {  	v0 =	vld.idx.msk [tilespmem:v58+s17+$0x0], $0xffff;
	_ =	sdelay $0x3  }
0xf1: {  	v60 =	vld [tilespmem:$0x1E0]  }
0xf2: {  	[tilespmem:$0x1D0] =	vst v0  }
0xf3: {  	v0 =	vld.idx.msk [tilespmem:v59+s18+$0x0], $0xffff;
	_ =	sdelay $0x3  }
0xf4: {  	v61 =	vld [tilespmem:$0x3E0]  }
0xf5: {  	[tilespmem:$0x3D0] =	vst v0  }
0xf6: {  	v0 =	vld.idx.msk [tilespmem:v60+s17+$0x0], $0xffff;
	_ =	sdelay $0x3  }
0xf7: {  	v62 =	vld [tilespmem:$0x1F0]  }
0xf8: {  	[tilespmem:$0x1E0] =	vst v0  }
0xf9: {  	v0 =	vld.idx.msk [tilespmem:v61+s18+$0x0], $0xffff;
	_ =	sdelay $0x3  }
0xfa: {  	v63 =	vld [tilespmem:$0x3F0]  }
0xfb: {  	[tilespmem:$0x3E0] =	vst v0  }
0xfc: {  	v0 =	vld.idx.msk [tilespmem:v62+s17+$0x0], $0xffff;
	_ =	sdelay $0x4  }
0xfd: {  	[tilespmem:$0x1F0] =	vst v0  }
0xfe: {  	v0 =	vld.idx.msk [tilespmem:v63+s18+$0x0], $0xffff;
	_ =	sdelay $0x4  }
0xff: {  	s14 =	simm.s32 $0x180;
	s15 =	simm.s32 $0x6BD0;
	[tilespmem:$0x3F0] =	vst v0  }
0x100: {  	[tilespmem:s15], [sflag:$0xB] =	stream.indirect.gather [spmem:s3], $0x40, s14, s25, $0xb8;
	[tilespmem:$0x12D10] =	vst v63  }
0x101: {  	s14 =	simm.s32 $0x380;
	s15 =	simm.s32 $0xEBD0  }
0x102: {  	[tilespmem:s15], [sflag:$0xC] =	stream.indirect.gather [spmem:s4], $0x40, s14, s25, $0xb8;
	[tilespmem:$0x12D10] =	vst v63  }
0x103: {  	_ =	swait.ge [sflag:s6], $0x2000  }
0x104: {  	[sflag:s6] =	ssyncset.done $0x0  }
0x105: {  	[sflag:s6] =	ssyncadd.s32 $0xFFFFE000  }
0x106: {  	_ =	swait.ge [sflag:s1], $0x2000  }
0x107: {  	[sflag:s1] =	ssyncset.done $0x0  }
0x108: {  	s13 =	simm.s32 $0x0;
	[sflag:s1] =	ssyncadd.s32 $0xFFFFE000  }
.LBB2_2:
0x109: {  	s14 =	sshll.u32 s13, $0x4;
	v1 =	vlaneseq.u32  }
0x10a: {  	v0 =	vmov s14;
	v2 =	vmul.u32 $0x40, v1  }
0x10b: {  	v0 =	vshll.u32 v0, $0x6  }
0x10c: {  	v0 =	vor.u32 v2, v0  }
0x10d: {  	v3 =	vadd.s32 $0x1, v1;
	v2 =	vor.u32 v0, v1  }
0x10e: {  	v3 =	vand.u32 $0x3F, v3  }
0x10f: {  	v4 =	vadd.s32 $0x2, v1;
	v3 =	vor.u32 v0, v3  }
0x110: {  	v4 =	vand.u32 $0x3F, v4  }
0x111: {  	v5 =	vadd.s32 $0x3, v1;
	v4 =	vor.u32 v0, v4  }
0x112: {  	v5 =	vand.u32 $0x3F, v5;
	v7 =	vld.idx.msk [tilespmem:v2+s26+$0x0], $0xffff  }
0x113: {  	v8 =	vor.u32 v0, v5;
	v9 =	vld.idx.msk [tilespmem:v2+s28+$0x0], $0xffff;
	v2 =	vadd.s32 $0x4, v1  }
0x114: {  	v10 =	vld.idx.msk [tilespmem:v3+s26+$0x0], $0xffff;
	v2 =	vand.u32 $0x3F, v2  }
0x115: {  	v11 =	vld.idx.msk [tilespmem:v3+s28+$0x0], $0xffff;
	v3 =	vadd.s32 $0x5, v1;
	v13 =	vor.u32 v0, v2  }
0x116: {  	v6 =	vld.idx.msk [tilespmem:v4+s28+$0x0], $0xffff;
	v3 =	vand.u32 $0x3F, v3  }
0x117: {  	v2 =	vld.idx.msk [tilespmem:v4+s26+$0x0], $0xffff;
	v5 =	vor.u32 v0, v3;
	v4 =	vadd.s32 $0x6, v1  }
0x118: {  	v3 =	vld.idx.msk [tilespmem:v8+s26+$0x0], $0xffff;
	v4 =	vand.u32 $0x3F, v4  }
0x119: {  	v12 =	vadd.s32 $0x7, v1;
	v8 =	vld.idx.msk [tilespmem:v8+s28+$0x0], $0xffff;
	v9 =	vmul.f32 v9, v7;
	v7 =	vor.u32 v0, v4  }
0x11a: {  	v14 =	vimm.f32 $0.0e+00;
	v15 =	vand.u32 $0x3F, v12;
	v4 =	vld.idx.msk [tilespmem:v13+s26+$0x0], $0xffff  }
0x11b: {  	v1 =	vadd.s32 $0x8, v1;
	v12 =	vmul.f32 v11, v10;
	v11 =	vor.u32 v0, v15;
	v10 =	vld.idx.msk [tilespmem:v13+s28+$0x0], $0xffff  }
0x11c: {  	s15 =	simm.s32 $0x7;
	v1 =	vand.u32 $0x3F, v1;
	v13 =	vadd.f32 v9, v14;
	v9 =	vld.idx.msk [tilespmem:v5+s26+$0x0], $0xffff  }
.LBB2_3:
0x11d: {  	v14 =	vor.u32 v0, v1;
	v15 =	vadd.s32 $0x1, v1;
	p0 =	sne.s32 s15, $0x1;
	s15 =	sadd.s32 $0xFFFFFFFF, s15;
	v2 =	vmul.f32 v6, v2;
	v5 =	vld.idx.msk [tilespmem:v5+s28+$0x0], $0xffff  }
0x11e: {  	v6 =	vand.u32 $0x3F, v15;
	v15 =	vadd.s32 $0x2, v1;
	v12 =	vadd.f32 v12, v13;
	v13 =	vld.idx.msk [tilespmem:v7+s26+$0x0], $0xffff  }
0x11f: {  	v3 =	vmul.f32 v8, v3;
	v6 =	vor.u32 v0, v6;
	v7 =	vld.idx.msk [tilespmem:v7+s28+$0x0], $0xffff  }
0x120: {  	v8 =	vand.u32 $0x3F, v15;
	v2 =	vadd.f32 v2, v12;
	v12 =	vld.idx.msk [tilespmem:v11+s26+$0x0], $0xffff  }
0x121: {  	v15 =	vadd.s32 $0x3, v1;
	v8 =	vor.u32 v0, v8;
	v4 =	vmul.f32 v10, v4;
	v10 =	vld.idx.msk [tilespmem:v11+s28+$0x0], $0xffff  }
0x122: {  	v15 =	vand.u32 $0x3F, v15;
	v11 =	vld.idx.msk [tilespmem:v14+s26+$0x0], $0xffff;
	v2 =	vadd.f32 v3, v2  }
0x123: {  	v15 =	vor.u32 v0, v15;
	v3 =	vadd.s32 $0x4, v1;
	v5 =	vmul.f32 v5, v9;
	v14 =	vld.idx.msk [tilespmem:v14+s28+$0x0], $0xffff  }
0x124: {  	v3 =	vand.u32 $0x3F, v3;
	v9 =	vld.idx.msk [tilespmem:v6+s26+$0x0], $0xffff;
	v4 =	vadd.f32 v4, v2  }
0x125: {  	v17 =	vor.u32 v0, v3;
	v3 =	vadd.s32 $0x5, v1;
	v7 =	vmul.f32 v7, v13;
	v16 =	vld.idx.msk [tilespmem:v6+s28+$0x0], $0xffff  }
0x126: {  	v3 =	vand.u32 $0x3F, v3;
	v2 =	vld.idx.msk [tilespmem:v8+s26+$0x0], $0xffff;
	v4 =	vadd.f32 v5, v4  }
0x127: {  	v5 =	vor.u32 v0, v3;
	v10 =	vmul.f32 v10, v12;
	v6 =	vld.idx.msk [tilespmem:v8+s28+$0x0], $0xffff;
	v8 =	vadd.s32 $0x6, v1  }
.Ltmp0:
0x128: {  	v3 =	vld.idx.msk [tilespmem:v15+s26+$0x0], $0xffff;
	v12 =	vand.u32 $0x3F, v8;
	v13 =	vadd.f32 v7, v4;
	(pc) =	sbr.rel @p0 .LBB2_3-.Ltmp0, $4  }
0x129: {  	v14 =	vmul.f32 v14, v11;
	v11 =	vadd.s32 $0x7, v1;
	v8 =	vld.idx.msk [tilespmem:v15+s28+$0x0], $0xffff;
	v7 =	vor.u32 v0, v12  }
0x12a: {  	v11 =	vand.u32 $0x3F, v11;
	v4 =	vld.idx.msk [tilespmem:v17+s26+$0x0], $0xffff;
	v13 =	vadd.f32 v10, v13  }
0x12b: {  	v1 =	vadd.s32 $0x8, v1;
	v12 =	vmul.f32 v16, v9;
	v11 =	vor.u32 v0, v11;
	v10 =	vld.idx.msk [tilespmem:v17+s28+$0x0], $0xffff  }
0x12c: {  	v1 =	vand.u32 $0x3F, v1;
	v13 =	vadd.f32 v14, v13;
	v9 =	vld.idx.msk [tilespmem:v5+s26+$0x0], $0xffff  }
0x12d: {  	_ =	sdelay $0x2  }
0x12e: {  	v0 =	vmul.f32 v6, v2;
	v1 =	vadd.f32 v12, v13  }
0x12f: {  	v58 =	vld.idx.msk [tilespmem:v5+s28+$0x0], $0xffff  }
0x130: {  	v59 =	vld.idx.msk [tilespmem:v7+s26+$0x0], $0xffff;
	v3 =	vmul.f32 v8, v3;
	v0 =	vadd.f32 v0, v1  }
0x131: {  	v60 =	vld.idx.msk [tilespmem:v7+s28+$0x0], $0xffff  }
0x132: {  	v61 =	vld.idx.msk [tilespmem:v11+s26+$0x0], $0xffff;
	v4 =	vmul.f32 v10, v4;
	v0 =	vadd.f32 v3, v0  }
0x133: {  	v62 =	vld.idx.msk [tilespmem:v11+s28+$0x0], $0xffff  }
0x134: {  	v2 =	vmul.f32 v58, v9;
	v0 =	vadd.f32 v4, v0;
	_ =	sdelay $0x1  }
0x135: {  	s13 =	sadd.s32 $0x1, s13;
	v1 =	vmul.f32 v60, v59;
	v0 =	vadd.f32 v2, v0  }
0x136: {  	p0 =	sne.s32 s13, $0x8  }
.Ltmp1:
0x137: {  	v63 =	vmul.f32 v62, v61;
	v0 =	vadd.f32 v1, v0;
	(pc) =	sbr.rel @p0 .LBB2_2-.Ltmp1, $3  }
0x138: {  	_ = 	snop  }
0x139: {  	v0 =	vadd.f32 v63, v0;
	_ =	sdelay $0x1  }
0x13a: {  	[tilespmem:s14+$0x10BD0] =	vst v0  }
0x13b: {  	s13 =	simm.s32 $0x0;
	s14 =	simm.s32 $0x10BD0  }
0x13c: {  	[hbm4b:s9+s13] =	stream.linear.scatter [tilespmem:s14], [sflag:$0xE], $0x80, $0x38;
	[tilespmem:$0x12D10] =	vst v63  }
0x13d: {  	_ =	swait.ge [sflag:s29], $0x2000  }
0x13e: {  	[sflag:s29] =	ssyncset.done $0x0  }
0x13f: {  	[sflag:s29] =	ssyncadd.s32 $0xFFFFE000  }
0x140: {  	_ =	swait.ge [sflag:s30], $0x2000  }
0x141: {  	[sflag:s30] =	ssyncset.done $0x0  }
0x142: {  	[sflag:s30] =	ssyncadd.s32 $0xFFFFE000  }
.LBB2_6:
0x143: {  	s14 =	sshll.u32 s13, $0x4  }
0x144: {  	v1 =	vlaneseq.u32;
	s14 =	sadd.s32 $0x80, s14  }
0x145: {  	v2 =	vmul.u32 $0x40, v1;
	v0 =	vmov s14  }
0x146: {  	v0 =	vshll.u32 v0, $0x6  }
0x147: {  	v0 =	vor.u32 v2, v0  }
0x148: {  	v3 =	vadd.s32 $0x1, v1;
	v2 =	vor.u32 v0, v1  }
0x149: {  	v3 =	vand.u32 $0x3F, v3  }
0x14a: {  	v4 =	vadd.s32 $0x2, v1;
	v3 =	vor.u32 v0, v3  }
0x14b: {  	v4 =	vand.u32 $0x3F, v4  }
0x14c: {  	v5 =	vadd.s32 $0x3, v1;
	v4 =	vor.u32 v0, v4  }
0x14d: {  	v5 =	vand.u32 $0x3F, v5;
	v7 =	vld.idx.msk [tilespmem:v2+s26+$0x0], $0xffff  }
0x14e: {  	v8 =	vor.u32 v0, v5;
	v9 =	vld.idx.msk [tilespmem:v2+s28+$0x0], $0xffff;
	v2 =	vadd.s32 $0x4, v1  }
0x14f: {  	v10 =	vld.idx.msk [tilespmem:v3+s26+$0x0], $0xffff;
	v2 =	vand.u32 $0x3F, v2  }
0x150: {  	v11 =	vld.idx.msk [tilespmem:v3+s28+$0x0], $0xffff;
	v3 =	vadd.s32 $0x5, v1;
	v13 =	vor.u32 v0, v2  }
0x151: {  	v6 =	vld.idx.msk [tilespmem:v4+s28+$0x0], $0xffff;
	v3 =	vand.u32 $0x3F, v3  }
0x152: {  	v2 =	vld.idx.msk [tilespmem:v4+s26+$0x0], $0xffff;
	v5 =	vor.u32 v0, v3;
	v4 =	vadd.s32 $0x6, v1  }
0x153: {  	v3 =	vld.idx.msk [tilespmem:v8+s26+$0x0], $0xffff;
	v4 =	vand.u32 $0x3F, v4  }
0x154: {  	v12 =	vadd.s32 $0x7, v1;
	v8 =	vld.idx.msk [tilespmem:v8+s28+$0x0], $0xffff;
	v9 =	vmul.f32 v9, v7;
	v7 =	vor.u32 v0, v4  }
0x155: {  	v14 =	vimm.f32 $0.0e+00;
	v15 =	vand.u32 $0x3F, v12;
	v4 =	vld.idx.msk [tilespmem:v13+s26+$0x0], $0xffff  }
0x156: {  	v1 =	vadd.s32 $0x8, v1;
	v12 =	vmul.f32 v11, v10;
	v11 =	vor.u32 v0, v15;
	v10 =	vld.idx.msk [tilespmem:v13+s28+$0x0], $0xffff  }
0x157: {  	s15 =	simm.s32 $0x7;
	v1 =	vand.u32 $0x3F, v1;
	v13 =	vadd.f32 v9, v14;
	v9 =	vld.idx.msk [tilespmem:v5+s26+$0x0], $0xffff  }
.LBB2_7:
0x158: {  	v14 =	vor.u32 v0, v1;
	v15 =	vadd.s32 $0x1, v1;
	p0 =	sne.s32 s15, $0x1;
	s15 =	sadd.s32 $0xFFFFFFFF, s15;
	v2 =	vmul.f32 v6, v2;
	v5 =	vld.idx.msk [tilespmem:v5+s28+$0x0], $0xffff  }
0x159: {  	v6 =	vand.u32 $0x3F, v15;
	v15 =	vadd.s32 $0x2, v1;
	v12 =	vadd.f32 v12, v13;
	v13 =	vld.idx.msk [tilespmem:v7+s26+$0x0], $0xffff  }
0x15a: {  	v3 =	vmul.f32 v8, v3;
	v6 =	vor.u32 v0, v6;
	v7 =	vld.idx.msk [tilespmem:v7+s28+$0x0], $0xffff  }
0x15b: {  	v8 =	vand.u32 $0x3F, v15;
	v2 =	vadd.f32 v2, v12;
	v12 =	vld.idx.msk [tilespmem:v11+s26+$0x0], $0xffff  }
0x15c: {  	v15 =	vadd.s32 $0x3, v1;
	v8 =	vor.u32 v0, v8;
	v4 =	vmul.f32 v10, v4;
	v10 =	vld.idx.msk [tilespmem:v11+s28+$0x0], $0xffff  }
0x15d: {  	v15 =	vand.u32 $0x3F, v15;
	v11 =	vld.idx.msk [tilespmem:v14+s26+$0x0], $0xffff;
	v2 =	vadd.f32 v3, v2  }
0x15e: {  	v15 =	vor.u32 v0, v15;
	v3 =	vadd.s32 $0x4, v1;
	v5 =	vmul.f32 v5, v9;
	v14 =	vld.idx.msk [tilespmem:v14+s28+$0x0], $0xffff  }
0x15f: {  	v3 =	vand.u32 $0x3F, v3;
	v9 =	vld.idx.msk [tilespmem:v6+s26+$0x0], $0xffff;
	v4 =	vadd.f32 v4, v2  }
0x160: {  	v17 =	vor.u32 v0, v3;
	v3 =	vadd.s32 $0x5, v1;
	v7 =	vmul.f32 v7, v13;
	v16 =	vld.idx.msk [tilespmem:v6+s28+$0x0], $0xffff  }
0x161: {  	v3 =	vand.u32 $0x3F, v3;
	v2 =	vld.idx.msk [tilespmem:v8+s26+$0x0], $0xffff;
	v4 =	vadd.f32 v5, v4  }
0x162: {  	v5 =	vor.u32 v0, v3;
	v10 =	vmul.f32 v10, v12;
	v6 =	vld.idx.msk [tilespmem:v8+s28+$0x0], $0xffff;
	v8 =	vadd.s32 $0x6, v1  }
.Ltmp2:
0x163: {  	v3 =	vld.idx.msk [tilespmem:v15+s26+$0x0], $0xffff;
	v12 =	vand.u32 $0x3F, v8;
	v13 =	vadd.f32 v7, v4;
	(pc) =	sbr.rel @p0 .LBB2_7-.Ltmp2, $4  }
0x164: {  	v14 =	vmul.f32 v14, v11;
	v11 =	vadd.s32 $0x7, v1;
	v8 =	vld.idx.msk [tilespmem:v15+s28+$0x0], $0xffff;
	v7 =	vor.u32 v0, v12  }
0x165: {  	v11 =	vand.u32 $0x3F, v11;
	v4 =	vld.idx.msk [tilespmem:v17+s26+$0x0], $0xffff;
	v13 =	vadd.f32 v10, v13  }
0x166: {  	v1 =	vadd.s32 $0x8, v1;
	v12 =	vmul.f32 v16, v9;
	v11 =	vor.u32 v0, v11;
	v10 =	vld.idx.msk [tilespmem:v17+s28+$0x0], $0xffff  }
0x167: {  	v1 =	vand.u32 $0x3F, v1;
	v13 =	vadd.f32 v14, v13;
	v9 =	vld.idx.msk [tilespmem:v5+s26+$0x0], $0xffff  }
0x168: {  	_ =	sdelay $0x2  }
0x169: {  	v0 =	vmul.f32 v6, v2;
	v1 =	vadd.f32 v12, v13  }
0x16a: {  	v58 =	vld.idx.msk [tilespmem:v5+s28+$0x0], $0xffff  }
0x16b: {  	v59 =	vld.idx.msk [tilespmem:v7+s26+$0x0], $0xffff;
	v3 =	vmul.f32 v8, v3;
	v0 =	vadd.f32 v0, v1  }
0x16c: {  	v60 =	vld.idx.msk [tilespmem:v7+s28+$0x0], $0xffff  }
0x16d: {  	v61 =	vld.idx.msk [tilespmem:v11+s26+$0x0], $0xffff;
	v4 =	vmul.f32 v10, v4;
	v0 =	vadd.f32 v3, v0  }
0x16e: {  	v62 =	vld.idx.msk [tilespmem:v11+s28+$0x0], $0xffff  }
0x16f: {  	v2 =	vmul.f32 v58, v9;
	v0 =	vadd.f32 v4, v0;
	_ =	sdelay $0x1  }
0x170: {  	s13 =	sadd.s32 $0x1, s13;
	v1 =	vmul.f32 v60, v59;
	v0 =	vadd.f32 v2, v0  }
0x171: {  	p0 =	sne.s32 s13, $0x8  }
.Ltmp3:
0x172: {  	v63 =	vmul.f32 v62, v61;
	v0 =	vadd.f32 v1, v0;
	(pc) =	sbr.rel @p0 .LBB2_6-.Ltmp3, $3  }
0x173: {  	_ = 	snop  }
0x174: {  	v0 =	vadd.f32 v63, v0;
	_ =	sdelay $0x1  }
0x175: {  	[tilespmem:s14+$0x10BD0] =	vst v0  }
0x176: {  	s13 =	simm.s32 $0x0;
	s14 =	rddreg [dreg:$0xb];
	s15 =	simm.s32 $0x10C50  }
0x177: {  	[hbm4b:s14+s13] =	stream.linear.scatter [tilespmem:s15], [sflag:$0xF], $0x80, $0x38;
	[tilespmem:$0x12D10] =	vst v63  }
0x178: {  	_ =	swait.ge [sflag:s0], $0x2000  }
0x179: {  	[sflag:s0] =	ssyncset.done $0x0  }
0x17a: {  	[sflag:s0] =	ssyncadd.s32 $0xFFFFE000  }
0x17b: {  	_ =	swait.ge [sflag:s2], $0x2000  }
0x17c: {  	[sflag:s2] =	ssyncset.done $0x0  }
0x17d: {  	[sflag:s2] =	ssyncadd.s32 $0xFFFFE000  }
.LBB2_10:
0x17e: {  	s14 =	sshll.u32 s13, $0x4  }
0x17f: {  	v1 =	vlaneseq.u32;
	s14 =	sadd.s32 $0x100, s14  }
0x180: {  	v2 =	vmul.u32 $0x40, v1;
	v0 =	vmov s14  }
0x181: {  	v0 =	vshll.u32 v0, $0x6  }
0x182: {  	v0 =	vor.u32 v2, v0  }
0x183: {  	v3 =	vadd.s32 $0x1, v1;
	v2 =	vor.u32 v0, v1  }
0x184: {  	v3 =	vand.u32 $0x3F, v3  }
0x185: {  	v4 =	vadd.s32 $0x2, v1;
	v3 =	vor.u32 v0, v3  }
0x186: {  	v4 =	vand.u32 $0x3F, v4  }
0x187: {  	v5 =	vadd.s32 $0x3, v1;
	v4 =	vor.u32 v0, v4  }
0x188: {  	v5 =	vand.u32 $0x3F, v5;
	v7 =	vld.idx.msk [tilespmem:v2+s26+$0x0], $0xffff  }
0x189: {  	v8 =	vor.u32 v0, v5;
	v9 =	vld.idx.msk [tilespmem:v2+s28+$0x0], $0xffff;
	v2 =	vadd.s32 $0x4, v1  }
0x18a: {  	v10 =	vld.idx.msk [tilespmem:v3+s26+$0x0], $0xffff;
	v2 =	vand.u32 $0x3F, v2  }
0x18b: {  	v11 =	vld.idx.msk [tilespmem:v3+s28+$0x0], $0xffff;
	v3 =	vadd.s32 $0x5, v1;
	v13 =	vor.u32 v0, v2  }
0x18c: {  	v6 =	vld.idx.msk [tilespmem:v4+s28+$0x0], $0xffff;
	v3 =	vand.u32 $0x3F, v3  }
0x18d: {  	v2 =	vld.idx.msk [tilespmem:v4+s26+$0x0], $0xffff;
	v5 =	vor.u32 v0, v3;
	v4 =	vadd.s32 $0x6, v1  }
0x18e: {  	v3 =	vld.idx.msk [tilespmem:v8+s26+$0x0], $0xffff;
	v4 =	vand.u32 $0x3F, v4  }
0x18f: {  	v12 =	vadd.s32 $0x7, v1;
	v8 =	vld.idx.msk [tilespmem:v8+s28+$0x0], $0xffff;
	v9 =	vmul.f32 v9, v7;
	v7 =	vor.u32 v0, v4  }
0x190: {  	v14 =	vimm.f32 $0.0e+00;
	v15 =	vand.u32 $0x3F, v12;
	v4 =	vld.idx.msk [tilespmem:v13+s26+$0x0], $0xffff  }
0x191: {  	v1 =	vadd.s32 $0x8, v1;
	v12 =	vmul.f32 v11, v10;
	v11 =	vor.u32 v0, v15;
	v10 =	vld.idx.msk [tilespmem:v13+s28+$0x0], $0xffff  }
0x192: {  	s15 =	simm.s32 $0x7;
	v1 =	vand.u32 $0x3F, v1;
	v13 =	vadd.f32 v9, v14;
	v9 =	vld.idx.msk [tilespmem:v5+s26+$0x0], $0xffff  }
.LBB2_11:
0x193: {  	v14 =	vor.u32 v0, v1;
	v15 =	vadd.s32 $0x1, v1;
	p0 =	sne.s32 s15, $0x1;
	s15 =	sadd.s32 $0xFFFFFFFF, s15;
	v2 =	vmul.f32 v6, v2;
	v5 =	vld.idx.msk [tilespmem:v5+s28+$0x0], $0xffff  }
0x194: {  	v6 =	vand.u32 $0x3F, v15;
	v15 =	vadd.s32 $0x2, v1;
	v12 =	vadd.f32 v12, v13;
	v13 =	vld.idx.msk [tilespmem:v7+s26+$0x0], $0xffff  }
0x195: {  	v3 =	vmul.f32 v8, v3;
	v6 =	vor.u32 v0, v6;
	v7 =	vld.idx.msk [tilespmem:v7+s28+$0x0], $0xffff  }
0x196: {  	v8 =	vand.u32 $0x3F, v15;
	v2 =	vadd.f32 v2, v12;
	v12 =	vld.idx.msk [tilespmem:v11+s26+$0x0], $0xffff  }
0x197: {  	v15 =	vadd.s32 $0x3, v1;
	v8 =	vor.u32 v0, v8;
	v4 =	vmul.f32 v10, v4;
	v10 =	vld.idx.msk [tilespmem:v11+s28+$0x0], $0xffff  }
0x198: {  	v15 =	vand.u32 $0x3F, v15;
	v11 =	vld.idx.msk [tilespmem:v14+s26+$0x0], $0xffff;
	v2 =	vadd.f32 v3, v2  }
0x199: {  	v15 =	vor.u32 v0, v15;
	v3 =	vadd.s32 $0x4, v1;
	v5 =	vmul.f32 v5, v9;
	v14 =	vld.idx.msk [tilespmem:v14+s28+$0x0], $0xffff  }
0x19a: {  	v3 =	vand.u32 $0x3F, v3;
	v9 =	vld.idx.msk [tilespmem:v6+s26+$0x0], $0xffff;
	v4 =	vadd.f32 v4, v2  }
0x19b: {  	v17 =	vor.u32 v0, v3;
	v3 =	vadd.s32 $0x5, v1;
	v7 =	vmul.f32 v7, v13;
	v16 =	vld.idx.msk [tilespmem:v6+s28+$0x0], $0xffff  }
0x19c: {  	v3 =	vand.u32 $0x3F, v3;
	v2 =	vld.idx.msk [tilespmem:v8+s26+$0x0], $0xffff;
	v4 =	vadd.f32 v5, v4  }
0x19d: {  	v5 =	vor.u32 v0, v3;
	v10 =	vmul.f32 v10, v12;
	v6 =	vld.idx.msk [tilespmem:v8+s28+$0x0], $0xffff;
	v8 =	vadd.s32 $0x6, v1  }
.Ltmp4:
0x19e: {  	v3 =	vld.idx.msk [tilespmem:v15+s26+$0x0], $0xffff;
	v12 =	vand.u32 $0x3F, v8;
	v13 =	vadd.f32 v7, v4;
	(pc) =	sbr.rel @p0 .LBB2_11-.Ltmp4, $4  }
0x19f: {  	v14 =	vmul.f32 v14, v11;
	v11 =	vadd.s32 $0x7, v1;
	v8 =	vld.idx.msk [tilespmem:v15+s28+$0x0], $0xffff;
	v7 =	vor.u32 v0, v12  }
0x1a0: {  	v11 =	vand.u32 $0x3F, v11;
	v4 =	vld.idx.msk [tilespmem:v17+s26+$0x0], $0xffff;
	v13 =	vadd.f32 v10, v13  }
0x1a1: {  	v1 =	vadd.s32 $0x8, v1;
	v12 =	vmul.f32 v16, v9;
	v11 =	vor.u32 v0, v11;
	v10 =	vld.idx.msk [tilespmem:v17+s28+$0x0], $0xffff  }
0x1a2: {  	v1 =	vand.u32 $0x3F, v1;
	v13 =	vadd.f32 v14, v13;
	v9 =	vld.idx.msk [tilespmem:v5+s26+$0x0], $0xffff  }
0x1a3: {  	_ =	sdelay $0x2  }
0x1a4: {  	v0 =	vmul.f32 v6, v2;
	v1 =	vadd.f32 v12, v13  }
0x1a5: {  	v58 =	vld.idx.msk [tilespmem:v5+s28+$0x0], $0xffff  }
0x1a6: {  	v59 =	vld.idx.msk [tilespmem:v7+s26+$0x0], $0xffff;
	v3 =	vmul.f32 v8, v3;
	v0 =	vadd.f32 v0, v1  }
0x1a7: {  	v60 =	vld.idx.msk [tilespmem:v7+s28+$0x0], $0xffff  }
0x1a8: {  	v61 =	vld.idx.msk [tilespmem:v11+s26+$0x0], $0xffff;
	v4 =	vmul.f32 v10, v4;
	v0 =	vadd.f32 v3, v0  }
0x1a9: {  	v62 =	vld.idx.msk [tilespmem:v11+s28+$0x0], $0xffff  }
0x1aa: {  	v2 =	vmul.f32 v58, v9;
	v0 =	vadd.f32 v4, v0;
	_ =	sdelay $0x1  }
0x1ab: {  	s13 =	sadd.s32 $0x1, s13;
	v1 =	vmul.f32 v60, v59;
	v0 =	vadd.f32 v2, v0  }
0x1ac: {  	p0 =	sne.s32 s13, $0x8  }
.Ltmp5:
0x1ad: {  	v63 =	vmul.f32 v62, v61;
	v0 =	vadd.f32 v1, v0;
	(pc) =	sbr.rel @p0 .LBB2_10-.Ltmp5, $3  }
0x1ae: {  	_ = 	snop  }
0x1af: {  	v0 =	vadd.f32 v63, v0;
	_ =	sdelay $0x1  }
0x1b0: {  	[tilespmem:s14+$0x10BD0] =	vst v0  }
0x1b1: {  	s13 =	simm.s32 $0x0;
	s14 =	rddreg [dreg:$0xc];
	s15 =	simm.s32 $0x10CD0  }
0x1b2: {  	[hbm4b:s14+s13] =	stream.linear.scatter [tilespmem:s15], [sflag:$0x10], $0x80, $0x38;
	[tilespmem:$0x12D10] =	vst v63  }
0x1b3: {  	_ =	swait.ge [sflag:s31], $0x2000  }
0x1b4: {  	[sflag:s31] =	ssyncset.done $0x0  }
0x1b5: {  	[sflag:s31] =	ssyncadd.s32 $0xFFFFE000  }
0x1b6: {  	_ =	swait.ge [sflag:s7], $0x2000  }
0x1b7: {  	[sflag:s7] =	ssyncset.done $0x0  }
0x1b8: {  	[sflag:s7] =	ssyncadd.s32 $0xFFFFE000  }
.LBB2_14:
0x1b9: {  	s14 =	sshll.u32 s13, $0x4  }
0x1ba: {  	v1 =	vlaneseq.u32;
	s14 =	sadd.s32 $0x180, s14  }
0x1bb: {  	v2 =	vmul.u32 $0x40, v1;
	v0 =	vmov s14  }
0x1bc: {  	v0 =	vshll.u32 v0, $0x6  }
0x1bd: {  	v0 =	vor.u32 v2, v0  }
0x1be: {  	v3 =	vadd.s32 $0x1, v1;
	v2 =	vor.u32 v0, v1  }
0x1bf: {  	v3 =	vand.u32 $0x3F, v3  }
0x1c0: {  	v4 =	vadd.s32 $0x2, v1;
	v3 =	vor.u32 v0, v3  }
0x1c1: {  	v4 =	vand.u32 $0x3F, v4  }
0x1c2: {  	v5 =	vadd.s32 $0x3, v1;
	v4 =	vor.u32 v0, v4  }
0x1c3: {  	v5 =	vand.u32 $0x3F, v5;
	v7 =	vld.idx.msk [tilespmem:v2+s26+$0x0], $0xffff  }
0x1c4: {  	v8 =	vor.u32 v0, v5;
	v9 =	vld.idx.msk [tilespmem:v2+s28+$0x0], $0xffff;
	v2 =	vadd.s32 $0x4, v1  }
0x1c5: {  	v10 =	vld.idx.msk [tilespmem:v3+s26+$0x0], $0xffff;
	v2 =	vand.u32 $0x3F, v2  }
0x1c6: {  	v11 =	vld.idx.msk [tilespmem:v3+s28+$0x0], $0xffff;
	v3 =	vadd.s32 $0x5, v1;
	v13 =	vor.u32 v0, v2  }
0x1c7: {  	v6 =	vld.idx.msk [tilespmem:v4+s28+$0x0], $0xffff;
	v3 =	vand.u32 $0x3F, v3  }
0x1c8: {  	v2 =	vld.idx.msk [tilespmem:v4+s26+$0x0], $0xffff;
	v5 =	vor.u32 v0, v3;
	v4 =	vadd.s32 $0x6, v1  }
0x1c9: {  	v3 =	vld.idx.msk [tilespmem:v8+s26+$0x0], $0xffff;
	v4 =	vand.u32 $0x3F, v4  }
0x1ca: {  	v12 =	vadd.s32 $0x7, v1;
	v8 =	vld.idx.msk [tilespmem:v8+s28+$0x0], $0xffff;
	v9 =	vmul.f32 v9, v7;
	v7 =	vor.u32 v0, v4  }
0x1cb: {  	v14 =	vimm.f32 $0.0e+00;
	v15 =	vand.u32 $0x3F, v12;
	v4 =	vld.idx.msk [tilespmem:v13+s26+$0x0], $0xffff  }
0x1cc: {  	v1 =	vadd.s32 $0x8, v1;
	v12 =	vmul.f32 v11, v10;
	v11 =	vor.u32 v0, v15;
	v10 =	vld.idx.msk [tilespmem:v13+s28+$0x0], $0xffff  }
0x1cd: {  	s15 =	simm.s32 $0x7;
	v1 =	vand.u32 $0x3F, v1;
	v13 =	vadd.f32 v9, v14;
	v9 =	vld.idx.msk [tilespmem:v5+s26+$0x0], $0xffff  }
.LBB2_15:
0x1ce: {  	v14 =	vor.u32 v0, v1;
	v15 =	vadd.s32 $0x1, v1;
	p0 =	sne.s32 s15, $0x1;
	s15 =	sadd.s32 $0xFFFFFFFF, s15;
	v2 =	vmul.f32 v6, v2;
	v5 =	vld.idx.msk [tilespmem:v5+s28+$0x0], $0xffff  }
0x1cf: {  	v6 =	vand.u32 $0x3F, v15;
	v15 =	vadd.s32 $0x2, v1;
	v12 =	vadd.f32 v12, v13;
	v13 =	vld.idx.msk [tilespmem:v7+s26+$0x0], $0xffff  }
0x1d0: {  	v3 =	vmul.f32 v8, v3;
	v6 =	vor.u32 v0, v6;
	v7 =	vld.idx.msk [tilespmem:v7+s28+$0x0], $0xffff  }
0x1d1: {  	v8 =	vand.u32 $0x3F, v15;
	v2 =	vadd.f32 v2, v12;
	v12 =	vld.idx.msk [tilespmem:v11+s26+$0x0], $0xffff  }
0x1d2: {  	v15 =	vadd.s32 $0x3, v1;
	v8 =	vor.u32 v0, v8;
	v4 =	vmul.f32 v10, v4;
	v10 =	vld.idx.msk [tilespmem:v11+s28+$0x0], $0xffff  }
0x1d3: {  	v15 =	vand.u32 $0x3F, v15;
	v11 =	vld.idx.msk [tilespmem:v14+s26+$0x0], $0xffff;
	v2 =	vadd.f32 v3, v2  }
0x1d4: {  	v15 =	vor.u32 v0, v15;
	v3 =	vadd.s32 $0x4, v1;
	v5 =	vmul.f32 v5, v9;
	v14 =	vld.idx.msk [tilespmem:v14+s28+$0x0], $0xffff  }
0x1d5: {  	v3 =	vand.u32 $0x3F, v3;
	v9 =	vld.idx.msk [tilespmem:v6+s26+$0x0], $0xffff;
	v4 =	vadd.f32 v4, v2  }
0x1d6: {  	v17 =	vor.u32 v0, v3;
	v3 =	vadd.s32 $0x5, v1;
	v7 =	vmul.f32 v7, v13;
	v16 =	vld.idx.msk [tilespmem:v6+s28+$0x0], $0xffff  }
0x1d7: {  	v3 =	vand.u32 $0x3F, v3;
	v2 =	vld.idx.msk [tilespmem:v8+s26+$0x0], $0xffff;
	v4 =	vadd.f32 v5, v4  }
0x1d8: {  	v5 =	vor.u32 v0, v3;
	v10 =	vmul.f32 v10, v12;
	v6 =	vld.idx.msk [tilespmem:v8+s28+$0x0], $0xffff;
	v8 =	vadd.s32 $0x6, v1  }
.Ltmp6:
0x1d9: {  	v3 =	vld.idx.msk [tilespmem:v15+s26+$0x0], $0xffff;
	v12 =	vand.u32 $0x3F, v8;
	v13 =	vadd.f32 v7, v4;
	(pc) =	sbr.rel @p0 .LBB2_15-.Ltmp6, $4  }
0x1da: {  	v14 =	vmul.f32 v14, v11;
	v11 =	vadd.s32 $0x7, v1;
	v8 =	vld.idx.msk [tilespmem:v15+s28+$0x0], $0xffff;
	v7 =	vor.u32 v0, v12  }
0x1db: {  	v11 =	vand.u32 $0x3F, v11;
	v4 =	vld.idx.msk [tilespmem:v17+s26+$0x0], $0xffff;
	v13 =	vadd.f32 v10, v13  }
0x1dc: {  	v1 =	vadd.s32 $0x8, v1;
	v12 =	vmul.f32 v16, v9;
	v11 =	vor.u32 v0, v11;
	v10 =	vld.idx.msk [tilespmem:v17+s28+$0x0], $0xffff  }
0x1dd: {  	v1 =	vand.u32 $0x3F, v1;
	v13 =	vadd.f32 v14, v13;
	v9 =	vld.idx.msk [tilespmem:v5+s26+$0x0], $0xffff  }
0x1de: {  	_ =	sdelay $0x2  }
0x1df: {  	v0 =	vmul.f32 v6, v2;
	v1 =	vadd.f32 v12, v13  }
0x1e0: {  	v58 =	vld.idx.msk [tilespmem:v5+s28+$0x0], $0xffff  }
0x1e1: {  	v59 =	vld.idx.msk [tilespmem:v7+s26+$0x0], $0xffff;
	v3 =	vmul.f32 v8, v3;
	v0 =	vadd.f32 v0, v1  }
0x1e2: {  	v60 =	vld.idx.msk [tilespmem:v7+s28+$0x0], $0xffff  }
0x1e3: {  	v61 =	vld.idx.msk [tilespmem:v11+s26+$0x0], $0xffff;
	v4 =	vmul.f32 v10, v4;
	v0 =	vadd.f32 v3, v0  }
0x1e4: {  	v62 =	vld.idx.msk [tilespmem:v11+s28+$0x0], $0xffff  }
0x1e5: {  	v2 =	vmul.f32 v58, v9;
	v0 =	vadd.f32 v4, v0;
	_ =	sdelay $0x1  }
0x1e6: {  	s13 =	sadd.s32 $0x1, s13;
	v1 =	vmul.f32 v60, v59;
	v0 =	vadd.f32 v2, v0  }
0x1e7: {  	p0 =	sne.s32 s13, $0x8  }
.Ltmp7:
0x1e8: {  	v63 =	vmul.f32 v62, v61;
	v0 =	vadd.f32 v1, v0;
	(pc) =	sbr.rel @p0 .LBB2_14-.Ltmp7, $3  }
0x1e9: {  	_ = 	snop  }
0x1ea: {  	v0 =	vadd.f32 v63, v0;
	_ =	sdelay $0x1  }
0x1eb: {  	[tilespmem:s14+$0x10BD0] =	vst v0  }
0x1ec: {  	s13 =	rddreg [dreg:$0xd];
	s14 =	simm.s32 $0x10D50  }
0x1ed: {  	[hbm4b:s13+s5] =	stream.linear.scatter [tilespmem:s14], [sflag:$0x11], $0x80, $0x38;
	[tilespmem:$0x12D10] =	vst v63  }
0x1ee: {  	_ =	swait.ge [sflag:s8], $0x80  }
0x1ef: {  	[sflag:s8] =	ssyncset.done $0x0  }
0x1f0: {  	[sflag:s8] =	ssyncadd.s32 $0xFFFFFF80  }
0x1f1: {  	_ =	swait.ge [sflag:s16], $0x80  }
0x1f2: {  	[sflag:s16] =	ssyncset.done $0x0  }
0x1f3: {  	[sflag:s16] =	ssyncadd.s32 $0xFFFFFF80  }
0x1f4: {  	_ =	swait.ge [sflag:s10], $0x80  }
0x1f5: {  	[sflag:s10] =	ssyncset.done $0x0  }
0x1f6: {  	[sflag:s10] =	ssyncadd.s32 $0xFFFFFF80  }
0x1f7: {  	_ =	swait.ge [sflag:s11], $0x80  }
0x1f8: {  	s12 =	sadd.s32 $0x1, s12;
	s15 =	rddreg [dreg:$0xe]  }
0x1f9: {  	p0 =	sne.s32 s12, s15  }
.Ltmp8:
0x1fa: {  	_ = 	snop;
	(pc) =	sbr.rel @p0 .LBB2_1-.Ltmp8, $3  }
0x1fb: {  	_ =	sdelay $0x1  }
0x1fc: {  	[sflag:s11] =	ssyncset.done $0x0  }
0x1fd: {  	[sflag:s11] =	ssyncadd.s32 $0xFFFFFF80  }
0x1fe: {  	_ =	sfence.sel $0x180000  }
0x1ff: {  	[bflag:$0x0] =	sbarrier.arrive $0xFFFF  }
0x200: {  	_ =	strace $0x90000047  }
0x201: {  	s0 =	stileid.u32;
	[bflag:$0x2] =	sbarrier.arrive $0xFFFF  }
0x202: {  	p0 =	sne.s32 s0, $0x0;
	s0 =	rddreg [dreg:$0x8]  }
0x203: {  	s0 =	sadd.s32 @!p0 $0x100000, s0  }
0x204: {  	[sflag:s0] =	ssyncadd.tile.s32 @!p0 $0x1;
	_ =	shalt  }
.Lfunc_end2:
_tile_overlayer_lowered:
.L_overlay_start_2:
0x205: {  	(tag) =	ssettag $0x2  }
0x206: {  	s0 =	rddreg [dreg:$0x0];
	s2 =	stileid.u32  }
0x207: {  	s1 =	rddreg [dreg:$0x1];
	p0 =	sne.s32 s2, $0x0  }
0x208: {  	s3 =	rddreg [dreg:$0x2];
	[bflag:$0x3] =	sbarrier.arrive $0xFFFF;
	s2 =	simm.s32 @!p0 $0x1C12  }
0x209: {  	[timem:s3], [sflag:s2] =	dma.local @!p0 [hbm:s0], s1  }
0x20a: {  	s0 =	simm.s32 @!p0 $0x12  }
0x20b: {  	_ =	swait.ge @!p0 [sflag:s0], s1  }
0x20c: {  	s1 =	ssub.s32 @!p0 $0x0, s1;
	[sflag:s0] =	ssyncset.done @!p0 $0x0  }
0x20d: {  	[sflag:s0] =	ssyncadd.s32 @!p0 s1  }
0x20e: {  	[bflag:$0x3] =	sbarrier.arrive $0xFFFF  }
0x20f: {  	_ =	shalt  }

</sc_bundles>
